<compile_context>
chip_gen: v7x
topology: tpu7x:2x2x1
jax: 0.10.2.dev20260603
libtpu: 0.0.44.dev20260713+nightly
codegen_flags: <defaults>
</compile_context>

<pallas_src>
import functools

import jax
import jax.numpy as jnp
from jax import lax
from jax.experimental import pallas as pl
from jax.experimental.pallas import tpu as pltpu
from jax.experimental.pallas import tpu_sc as plsc

B = 1024
L = 50
D = 128
KEY = 128
KN = 100
KNP = 128
MEM = 100000
CBLK = 4096
NBLK = 25
BT = 128
ALPHA = 0.1

NW = 32
GCH = 400


def _sc_gather(embed, idx_flat):
    n = idx_flat.shape[0]
    bpw = n // NW
    mesh = plsc.VectorSubcoreMesh(core_axis_name="c", subcore_axis_name="s")

    @functools.partial(
        pl.kernel,
        mesh=mesh,
        out_type=jax.ShapeDtypeStruct((n, D), jnp.float32),
        scratch_types=[
            pltpu.VMEM((GCH,), jnp.int32),
            pltpu.VMEM((GCH, D), jnp.float32),
            pltpu.SemaphoreType.DMA,
        ],
    )
    def gather_kernel(table_hbm, idx_hbm, out_hbm, idx_v, rows_v, sem):
        wid = lax.axis_index("s") * 2 + lax.axis_index("c")
        base = wid * bpw

        @pl.loop(0, bpw, step=GCH)
        def _(off):
            pltpu.sync_copy(idx_hbm.at[pl.ds(base + off, GCH)], idx_v)
            pltpu.async_copy(table_hbm.at[idx_v], rows_v, sem).wait()
            pltpu.sync_copy(rows_v, out_hbm.at[pl.ds(base + off, GCH)])

    return gather_kernel(embed, idx_flat)


def _q_body(e_ref, wp_ref, ws_ref, b3_ref, b4_ref, b5_ref, fcw_ref, fcb_ref,
            q_ref):
    e2 = e_ref[...].reshape(BT * L, D)
    e2n = jnp.concatenate([e2[1:], jnp.zeros((1, D), jnp.float32)], axis=0)
    ee = jnp.concatenate([e2, e2n], axis=1)
    gp = jnp.dot(ee, wp_ref[...],
                 preferred_element_type=jnp.float32)
    gs = jnp.dot(e2, ws_ref[...],
                 preferred_element_type=jnp.float32)
    p3 = gp.reshape(BT, L, 5 * KNP)
    s3 = gs.reshape(BT, L, 2 * KNP)
    c3 = p3[:, 0:48, 0 * KNP:1 * KNP] + s3[:, 2:50, 0 * KNP:1 * KNP]
    c4 = p3[:, 0:47, 1 * KNP:2 * KNP] + p3[:, 2:49, 2 * KNP:3 * KNP]
    c5 = (p3[:, 0:46, 3 * KNP:4 * KNP] + p3[:, 2:48, 4 * KNP:5 * KNP]
          + s3[:, 4:50, 1 * KNP:2 * KNP])
    feats = []
    for c, b_ref in ((c3, b3_ref), (c4, b4_ref), (c5, b5_ref)):
        feats.append(jnp.maximum(jnp.max(c, axis=1) + b_ref[...], 0.0))
    q = jnp.zeros((BT, KEY), jnp.float32) + fcb_ref[...]
    for i, f in enumerate(feats):
        q = q + jnp.dot(f, fcw_ref[pl.ds(i * KNP, KNP), :],
                        preferred_element_type=jnp.float32)
    norm = jnp.sqrt(jnp.sum(q * q, axis=1, keepdims=True))
    q_ref[...] = q / (norm + 1e-8)


def _q_from_e(e3, wp, ws, b3p, b4p, b5p, fcwp, fcbp):
    nb = e3.shape[0]
    grid = (nb // BT,)
    return pl.pallas_call(
        _q_body,
        grid=grid,
        in_specs=[
            pl.BlockSpec((BT, L, D), lambda i: (i, 0, 0)),
            pl.BlockSpec((2 * D, 5 * KNP), lambda i: (0, 0)),
            pl.BlockSpec((D, 2 * KNP), lambda i: (0, 0)),
            pl.BlockSpec((1, KNP), lambda i: (0, 0)),
            pl.BlockSpec((1, KNP), lambda i: (0, 0)),
            pl.BlockSpec((1, KNP), lambda i: (0, 0)),
            pl.BlockSpec((3 * KNP, KEY), lambda i: (0, 0)),
            pl.BlockSpec((1, KEY), lambda i: (0, 0)),
        ],
        out_specs=pl.BlockSpec((BT, KEY), lambda i: (i, 0)),
        out_shape=jax.ShapeDtypeStruct((nb, KEY), jnp.float32),
    )(e3, wp, ws, b3p, b4p, b5p, fcwp, fcbp)


def _mem_body(y_ref, q_ref, kt_ref, v_ref, loss_ref, acc_ref, oth_ref,
              pos_ref, neg_ref, cnt_ref):
    p = pl.program_id(0)
    j = pl.program_id(1)
    raw = lax.dot_general(q_ref[...], kt_ref[...],
                          (((1,), (1,)), ((), ())),
                          preferred_element_type=jnp.float32)
    col = j * CBLK + lax.broadcasted_iota(jnp.int32, (1, CBLK), 1)
    sims = jnp.where(col < MEM, raw, -1e9)

    @pl.when(jnp.logical_and(p == 0, j == 0))
    def _():
        pos_ref[...] = jnp.full((B, 1), -1e9, jnp.float32)
        neg_ref[...] = jnp.full((B, 1), -1e9, jnp.float32)
        cnt_ref[...] = jnp.zeros((B, 1), jnp.float32)

    @pl.when(p == 0)
    def _():
        memv = v_ref[0]
        match = y_ref[...] == memv
        posb = jnp.max(jnp.where(match, sims, -1e9), axis=1, keepdims=True)
        negb = jnp.max(jnp.where(match, -1e9, sims), axis=1, keepdims=True)
        pos_ref[...] = jnp.maximum(pos_ref[...], posb)
        neg_ref[...] = jnp.maximum(neg_ref[...], negb)

    @pl.when(p == 1)
    def _():
        gt = sims > pos_ref[...]
        cnt_ref[...] += jnp.sum(gt.astype(jnp.float32), axis=1, keepdims=True)

    @pl.when(jnp.logical_and(p == 1, j == NBLK - 1))
    def _():
        pos = pos_ref[...]
        neg = neg_ref[...]
        cnt = cnt_ref[...]
        loss_ref[...] = jnp.mean(
            jnp.maximum(neg - pos + ALPHA, 0.0)).reshape(1, 1)
        acc_ref[...] = jnp.mean((cnt < 1.0).astype(jnp.float32)).reshape(1, 1)
        ii = lax.broadcasted_iota(jnp.int32, (1, 3), 1).astype(jnp.float32)
        thr = (ii + 1.0) * (ii + 1.0) + 1.0
        oth_ref[...] = jnp.mean((cnt < thr).astype(jnp.float32), axis=0,
                                keepdims=True)


def _mem_stats(y2, q, kt, v3):
    grid = (2, NBLK)
    return pl.pallas_call(
        _mem_body,
        grid=grid,
        in_specs=[
            pl.BlockSpec((B, 1), lambda p, j: (0, 0)),
            pl.BlockSpec((B, KEY), lambda p, j: (0, 0)),
            pl.BlockSpec((CBLK, KEY), lambda p, j: (j, 0)),
            pl.BlockSpec((1, 1, CBLK), lambda p, j: (j, 0, 0)),
        ],
        out_specs=[
            pl.BlockSpec((1, 1), lambda p, j: (0, 0)),
            pl.BlockSpec((1, 1), lambda p, j: (0, 0)),
            pl.BlockSpec((1, 3), lambda p, j: (0, 0)),
        ],
        out_shape=[
            jax.ShapeDtypeStruct((1, 1), jnp.float32),
            jax.ShapeDtypeStruct((1, 1), jnp.float32),
            jax.ShapeDtypeStruct((1, 3), jnp.float32),
        ],
        scratch_shapes=[
            pltpu.VMEM((B, 1), jnp.float32),
            pltpu.VMEM((B, 1), jnp.float32),
            pltpu.VMEM((B, 1), jnp.float32),
        ],
        compiler_params=pltpu.CompilerParams(
            dimension_semantics=("arbitrary", "arbitrary")),
    )(y2, q, kt, v3)


def kernel(x, y, embed, conv_w3, conv_b3, conv_w4, conv_b4, conv_w5, conv_b5,
           fc_w, fc_b, mem_K, mem_V):
    xf = x.reshape(B * L).astype(jnp.int32)
    pad_ch = KNP - KN
    w3p = jnp.pad(conv_w3, ((0, 0), (0, 0), (0, pad_ch)))
    w4p = jnp.pad(conv_w4, ((0, 0), (0, 0), (0, pad_ch)))
    w5p = jnp.pad(conv_w5, ((0, 0), (0, 0), (0, pad_ch)))
    def _pair(w, a):
        return jnp.concatenate([w[a], w[a + 1]], axis=0)
    wp = jnp.concatenate(
        [_pair(w3p, 0), _pair(w4p, 0), _pair(w4p, 2),
         _pair(w5p, 0), _pair(w5p, 2)], axis=1)
    ws = jnp.concatenate([w3p[2], w5p[4]], axis=1)
    b3p = jnp.pad(conv_b3, (0, pad_ch)).reshape(1, KNP)
    b4p = jnp.pad(conv_b4, (0, pad_ch)).reshape(1, KNP)
    b5p = jnp.pad(conv_b5, (0, pad_ch)).reshape(1, KNP)
    fcw = fc_w.reshape(3, KN, KEY)
    fcwp = jnp.pad(fcw, ((0, 0), (0, pad_ch), (0, 0))).reshape(3 * KNP, KEY)
    fcbp = fc_b.reshape(1, KEY)
    kt = mem_K
    v3 = jnp.pad(mem_V.astype(jnp.int32), (0, NBLK * CBLK - MEM),
                 constant_values=-1).reshape(NBLK, 1, CBLK)
    y2 = y.astype(jnp.int32).reshape(B, 1)

    half = (B // 2) * L
    e1 = _sc_gather(embed, xf[:half])
    e2h = _sc_gather(embed, xf[half:])
    q1 = _q_from_e(e1.reshape(B // 2, L, D), wp, ws, b3p, b4p, b5p,
                   fcwp, fcbp)
    q2 = _q_from_e(e2h.reshape(B // 2, L, D), wp, ws, b3p, b4p, b5p,
                   fcwp, fcbp)
    q = jnp.concatenate([q1, q2], axis=0)

    loss2, acc2, oth2 = _mem_stats(y2, q, kt, v3)
    return (loss2.reshape(()), acc2.reshape(()), oth2.reshape(3))

# --- scband reference (transcript-rebuilt; emitter-appended) ---
"""Pipeline reference for scband-cnn-mem-49770081026753 (READ-ONLY COPY).

The authoritative reference and input builder live on the scoring server;
editing this copy changes nothing except your own understanding.
"""

import jax, jax.numpy as jnp
from jax import lax
import numpy as np

MEM_SIZE = 100000
KEY_SIZE = 128
EMBED_NUM = 100000
EMBED_DIM = 128
CLASS_NUM = 10
KERNEL_NUM = 100
KERNEL_SIZES = (3, 4, 5)
B = 1024
L = 50
CHOOSE_K = 256
ALPHA = 0.1


def setup_inputs(seed: int = 0) -> dict:
    key = jax.random.key(seed)
    ks = jax.random.split(key, 16)
    x = jax.random.randint(ks[0], (B, L), 0, EMBED_NUM)
    y = jax.random.randint(ks[1], (B,), 0, CLASS_NUM)
    embed = jax.random.normal(ks[2], (EMBED_NUM, EMBED_DIM), dtype=jnp.float32) * 0.1
    conv_w3 = jax.random.normal(ks[3], (3, EMBED_DIM, KERNEL_NUM), dtype=jnp.float32) * 0.05
    conv_b3 = jnp.zeros((KERNEL_NUM,), dtype=jnp.float32)
    conv_w4 = jax.random.normal(ks[4], (4, EMBED_DIM, KERNEL_NUM), dtype=jnp.float32) * 0.05
    conv_b4 = jnp.zeros((KERNEL_NUM,), dtype=jnp.float32)
    conv_w5 = jax.random.normal(ks[5], (5, EMBED_DIM, KERNEL_NUM), dtype=jnp.float32) * 0.05
    conv_b5 = jnp.zeros((KERNEL_NUM,), dtype=jnp.float32)
    fc_w = jax.random.normal(ks[6], (KERNEL_NUM * len(KERNEL_SIZES), KEY_SIZE), dtype=jnp.float32) * 0.05
    fc_b = jnp.zeros((KEY_SIZE,), dtype=jnp.float32)
    mem_K = jax.random.normal(ks[7], (MEM_SIZE, KEY_SIZE), dtype=jnp.float32)
    mem_K = mem_K / (jnp.linalg.norm(mem_K, axis=-1, keepdims=True) + 1e-8)
    mem_V = jax.random.randint(ks[8], (MEM_SIZE,), 0, CLASS_NUM)
    return {
        'x': x, 'y': y, 'embed': embed,
        'conv_w3': conv_w3, 'conv_b3': conv_b3,
        'conv_w4': conv_w4, 'conv_b4': conv_b4,
        'conv_w5': conv_w5, 'conv_b5': conv_b5,
        'fc_w': fc_w, 'fc_b': fc_b,
        'mem_K': mem_K, 'mem_V': mem_V,
    }


def _cnn_confidence(x, embed, conv_params, fc_w, fc_b):
    e = jnp.take(embed, x, axis=0)  # [B, L, D]
    feats = []
    for w, b in conv_params:
        c = lax.conv_general_dilated(e, w, window_strides=(1,), padding='VALID',
                                     dimension_numbers=('NWC', 'WIO', 'NWC'))
        c = jax.nn.relu(c + b)
        feats.append(jnp.max(c, axis=1))  # max-over-time pooling
    f = jnp.concatenate(feats, axis=-1)  # [B, 300]
    q = f @ fc_w + fc_b  # [B, KEY_SIZE]
    return q


def _normalize(q):
    return q / (jnp.linalg.norm(q, axis=-1, keepdims=True) + 1e-8)


def reference(x, y, embed, conv_w3, conv_b3, conv_w4, conv_b4, conv_w5, conv_b5, fc_w, fc_b, mem_K, mem_V):
    conv_params = ((conv_w3, conv_b3), (conv_w4, conv_b4), (conv_w5, conv_b5))
    q = _cnn_confidence(x, embed, conv_params, fc_w, fc_b)
    q = _normalize(q)
    # Memory.compute_loss (Kaiser et al. style kNN memory):
    sims = q @ mem_K.T  # [B, MEM_SIZE]
    top_sims, top_idx = lax.top_k(sims, CHOOSE_K)
    top_vals = jnp.take(mem_V, top_idx, axis=0)  # [B, CHOOSE_K]
    match = (y[:, None] == mem_V[None, :])  # [B, MEM_SIZE]
    pos_sim = jnp.max(jnp.where(match, sims, -1e9), axis=1)
    neg_sim = jnp.max(jnp.where(~match, sims, -1e9), axis=1)
    loss = jnp.mean(jax.nn.relu(neg_sim - pos_sim + ALPHA))
    accuracy = jnp.mean((top_vals[:, 0] == y).astype(jnp.float32))
    other_accuracies = jnp.stack([
        jnp.mean(jnp.any(top_vals[:, :k] == y[:, None], axis=1).astype(jnp.float32))
        for k in (2, 5, 10)
    ])
    return (loss, accuracy, other_accuracies)

if __name__ == "__main__":
    import jax
    _d = setup_inputs()
    print(jax.jit(kernel)(*tuple(_d.values())))

</pallas_src>

<mosaic_0001>
#map = affine_map<(d0, d1) -> (0, 0)>
#map1 = affine_map<(d0, d1) -> (0)>
module attributes {stable_mosaic.version = 14 : i64} {
  func.func @gather_kernel(%arg0: i32, %arg1: i32, %arg2: memref<100000x128xf32, #tpu.memory_space<hbm>>, %arg3: memref<25600xi32, #tpu.memory_space<hbm>>, %arg4: memref<25600x128xf32, #tpu.memory_space<hbm>>, %arg5: memref<400xi32, #tpu.memory_space<vmem>>, %arg6: memref<400x128xf32, #tpu.memory_space<vmem>>, %arg7: memref<!tpu.dma_semaphore, #tpu.memory_space<semaphore_mem>>) attributes {dimension_semantics = [#tpu.dimension_semantics<core_parallel>, #tpu.dimension_semantics<subcore_parallel>], iteration_bounds = array<i64: 2, 16>, scalar_prefetch = 0 : i64, scratch_operands = 3 : i64, tpu.core_type = #tpu.core_type<sc_vector_subcore>, window_params = [{transform_indices = #map}, {transform_indices = #map1}, {transform_indices = #map}]} {
    %mul3A = arith.constant 2 : i32
    %mul3A_0 = arith.muli %arg1, %mul3A : i32
    %add3A = arith.addi %mul3A_0, %arg0 : i32
    %mul3A_1 = arith.constant 800 : i32
    %mul3A_2 = arith.muli %add3A, %mul3A_1 : i32
    %scan3A = arith.constant 0 : i32
    %scan3A_3 = arith.constant 2 : i32
    %scan3A_4 = arith.addi %scan3A, %scan3A_3 : i32
    %scan3A_5 = arith.constant 1 : i32
    scf.for %scan3A_7 = %scan3A to %scan3A_4 step %scan3A_5  : i32 {
      %mul3A_8 = arith.constant 400 : i32
      %mul3A_9 = arith.muli %scan3A_7, %mul3A_8 : i32
      %add3A_10 = arith.constant 0 : i32
      %add3A_11 = arith.addi %add3A_10, %mul3A_9 : i32
      %add3A_12 = arith.addi %mul3A_2, %add3A_11 : i32
      "tpu.region"() ({
        %run_scoped3A = tpu.sem_alloc : memref<!tpu.dma_semaphore, #tpu.memory_space<semaphore_mem>>
        %dma_start3A_18 = tpu.memref_slice %arg3[%add3A_12] : memref<25600xi32, #tpu.memory_space<hbm>> -> memref<400xi32, #tpu.memory_space<hbm>>
        %dma_start3A_19 = tpu.memref_slice %arg3[%add3A_12] : memref<25600xi32, #tpu.memory_space<hbm>> -> memref<400xi32, #tpu.memory_space<hbm>>
        tpu.enqueue_dma source(%dma_start3A_19 : memref<400xi32, #tpu.memory_space<hbm>>) target(%arg5 : memref<400xi32, #tpu.memory_space<vmem>>) target_semaphore(%run_scoped3A : memref<!tpu.dma_semaphore, #tpu.memory_space<semaphore_mem>>)
        %dma_wait3A_20 = tpu.memref_slice %arg3[%add3A_12] : memref<25600xi32, #tpu.memory_space<hbm>> -> memref<400xi32, #tpu.memory_space<hbm>>
        %dma_wait3A_21 = tpu.memref_slice %arg3[%add3A_12] : memref<25600xi32, #tpu.memory_space<hbm>> -> memref<400xi32, #tpu.memory_space<hbm>>
        tpu.wait_dma2 semaphore(%run_scoped3A : memref<!tpu.dma_semaphore, #tpu.memory_space<semaphore_mem>>) src(%dma_wait3A_21 : memref<400xi32, #tpu.memory_space<hbm>>) dst(%arg5 : memref<400xi32, #tpu.memory_space<vmem>>)
        tpu.yield
      }) : () -> ()
      %dma_start3A = arith.constant 0 : i32
      %dma_start3A_13 = arith.constant 0 : i32
      %dma_start3A_14 = tpu.memref_slice %arg2[%dma_start3A, %dma_start3A_13] : memref<100000x128xf32, #tpu.memory_space<hbm>> -> memref<100000x128xf32, #tpu.memory_space<hbm>>
      tpu.enqueue_indirect_dma source(%dma_start3A_14 : memref<100000x128xf32, #tpu.memory_space<hbm>>) target(%arg6 : memref<400x128xf32, #tpu.memory_space<vmem>>) offsets(%arg5 : memref<400xi32, #tpu.memory_space<vmem>>) semaphore(%arg7 : memref<!tpu.dma_semaphore, #tpu.memory_space<semaphore_mem>>)
      %dma_wait3A = arith.constant 0 : i32
      %dma_wait3A_15 = arith.constant 0 : i32
      %dma_wait3A_16 = tpu.memref_slice %arg2[%dma_wait3A, %dma_wait3A_15] : memref<100000x128xf32, #tpu.memory_space<hbm>> -> memref<100000x128xf32, #tpu.memory_space<hbm>>
      tpu.wait_indirect_dma semaphore(%arg7 : memref<!tpu.dma_semaphore, #tpu.memory_space<semaphore_mem>>) src(%dma_wait3A_16 : memref<100000x128xf32, #tpu.memory_space<hbm>>) dst(%arg6 : memref<400x128xf32, #tpu.memory_space<vmem>>)
      %add3A_17 = arith.addi %mul3A_2, %add3A_11 : i32
      "tpu.region"() ({
        %run_scoped3A = tpu.sem_alloc : memref<!tpu.dma_semaphore, #tpu.memory_space<semaphore_mem>>
        %dma_start3A_18 = arith.constant 0 : i32
        %dma_start3A_19 = tpu.memref_slice %arg4[%add3A_17, %dma_start3A_18] : memref<25600x128xf32, #tpu.memory_space<hbm>> -> memref<400x128xf32, #tpu.memory_space<hbm>>
        %dma_start3A_20 = arith.constant 0 : i32
        %dma_start3A_21 = tpu.memref_slice %arg4[%add3A_17, %dma_start3A_20] : memref<25600x128xf32, #tpu.memory_space<hbm>> -> memref<400x128xf32, #tpu.memory_space<hbm>>
        tpu.enqueue_dma source(%arg6 : memref<400x128xf32, #tpu.memory_space<vmem>>) target(%dma_start3A_21 : memref<400x128xf32, #tpu.memory_space<hbm>>) target_semaphore(%run_scoped3A : memref<!tpu.dma_semaphore, #tpu.memory_space<semaphore_mem>>)
        %dma_wait3A_22 = arith.constant 0 : i32
        %dma_wait3A_23 = tpu.memref_slice %arg4[%add3A_17, %dma_wait3A_22] : memref<25600x128xf32, #tpu.memory_space<hbm>> -> memref<400x128xf32, #tpu.memory_space<hbm>>
        %dma_wait3A_24 = arith.constant 0 : i32
        %dma_wait3A_25 = tpu.memref_slice %arg4[%add3A_17, %dma_wait3A_24] : memref<25600x128xf32, #tpu.memory_space<hbm>> -> memref<400x128xf32, #tpu.memory_space<hbm>>
        tpu.wait_dma2 semaphore(%run_scoped3A : memref<!tpu.dma_semaphore, #tpu.memory_space<semaphore_mem>>) src(%arg6 : memref<400x128xf32, #tpu.memory_space<vmem>>) dst(%dma_wait3A_25 : memref<400x128xf32, #tpu.memory_space<hbm>>)
        tpu.yield
      }) : () -> ()
    }
    %scan3A_6 = arith.constant 2 : i32
    return
  }
}

#map = affine_map<(d0, d1) -> (0, 0)>
#map1 = affine_map<(d0, d1) -> (0)>
module attributes {stable_mosaic.version = 14 : i64} {
  func.func @gather_kernel(%arg0: i32, %arg1: i32, %arg2: memref<100000x128xf32, #tpu.memory_space<hbm>>, %arg3: memref<25600xi32, #tpu.memory_space<hbm>>, %arg4: memref<25600x128xf32, #tpu.memory_space<hbm>>, %arg5: memref<400xi32, #tpu.memory_space<vmem>>, %arg6: memref<400x128xf32, #tpu.memory_space<vmem>>, %arg7: memref<!tpu.dma_semaphore, #tpu.memory_space<semaphore_mem>>) attributes {dimension_semantics = [#tpu.dimension_semantics<core_parallel>, #tpu.dimension_semantics<subcore_parallel>], iteration_bounds = array<i64: 2, 16>, scalar_prefetch = 0 : i64, scratch_operands = 3 : i64, tpu.core_type = #tpu.core_type<sc_vector_subcore>, window_params = [{transform_indices = #map}, {transform_indices = #map1}, {transform_indices = #map}]} {
    %mul3A = arith.constant 2 : i32
    %mul3A_0 = arith.muli %arg1, %mul3A : i32
    %add3A = arith.addi %mul3A_0, %arg0 : i32
    %mul3A_1 = arith.constant 800 : i32
    %mul3A_2 = arith.muli %add3A, %mul3A_1 : i32
    %scan3A = arith.constant 0 : i32
    %scan3A_3 = arith.constant 2 : i32
    %scan3A_4 = arith.addi %scan3A, %scan3A_3 : i32
    %scan3A_5 = arith.constant 1 : i32
    scf.for %scan3A_7 = %scan3A to %scan3A_4 step %scan3A_5  : i32 {
      %mul3A_8 = arith.constant 400 : i32
      %mul3A_9 = arith.muli %scan3A_7, %mul3A_8 : i32
      %add3A_10 = arith.constant 0 : i32
      %add3A_11 = arith.addi %add3A_10, %mul3A_9 : i32
      %add3A_12 = arith.addi %mul3A_2, %add3A_11 : i32
      "tpu.region"() ({
        %run_scoped3A = tpu.sem_alloc : memref<!tpu.dma_semaphore, #tpu.memory_space<semaphore_mem>>
        %dma_start3A_18 = tpu.memref_slice %arg3[%add3A_12] : memref<25600xi32, #tpu.memory_space<hbm>> -> memref<400xi32, #tpu.memory_space<hbm>>
        %dma_start3A_19 = tpu.memref_slice %arg3[%add3A_12] : memref<25600xi32, #tpu.memory_space<hbm>> -> memref<400xi32, #tpu.memory_space<hbm>>
        tpu.enqueue_dma source(%dma_start3A_19 : memref<400xi32, #tpu.memory_space<hbm>>) target(%arg5 : memref<400xi32, #tpu.memory_space<vmem>>) target_semaphore(%run_scoped3A : memref<!tpu.dma_semaphore, #tpu.memory_space<semaphore_mem>>)
        %dma_wait3A_20 = tpu.memref_slice %arg3[%add3A_12] : memref<25600xi32, #tpu.memory_space<hbm>> -> memref<400xi32, #tpu.memory_space<hbm>>
        %dma_wait3A_21 = tpu.memref_slice %arg3[%add3A_12] : memref<25600xi32, #tpu.memory_space<hbm>> -> memref<400xi32, #tpu.memory_space<hbm>>
        tpu.wait_dma2 semaphore(%run_scoped3A : memref<!tpu.dma_semaphore, #tpu.memory_space<semaphore_mem>>) src(%dma_wait3A_21 : memref<400xi32, #tpu.memory_space<hbm>>) dst(%arg5 : memref<400xi32, #tpu.memory_space<vmem>>)
        tpu.yield
      }) : () -> ()
      %dma_start3A = arith.constant 0 : i32
      %dma_start3A_13 = arith.constant 0 : i32
      %dma_start3A_14 = tpu.memref_slice %arg2[%dma_start3A, %dma_start3A_13] : memref<100000x128xf32, #tpu.memory_space<hbm>> -> memref<100000x128xf32, #tpu.memory_space<hbm>>
      tpu.enqueue_indirect_dma source(%dma_start3A_14 : memref<100000x128xf32, #tpu.memory_space<hbm>>) target(%arg6 : memref<400x128xf32, #tpu.memory_space<vmem>>) offsets(%arg5 : memref<400xi32, #tpu.memory_space<vmem>>) semaphore(%arg7 : memref<!tpu.dma_semaphore, #tpu.memory_space<semaphore_mem>>)
      %dma_wait3A = arith.constant 0 : i32
      %dma_wait3A_15 = arith.constant 0 : i32
      %dma_wait3A_16 = tpu.memref_slice %arg2[%dma_wait3A, %dma_wait3A_15] : memref<100000x128xf32, #tpu.memory_space<hbm>> -> memref<100000x128xf32, #tpu.memory_space<hbm>>
      tpu.wait_indirect_dma semaphore(%arg7 : memref<!tpu.dma_semaphore, #tpu.memory_space<semaphore_mem>>) src(%dma_wait3A_16 : memref<100000x128xf32, #tpu.memory_space<hbm>>) dst(%arg6 : memref<400x128xf32, #tpu.memory_space<vmem>>)
      %add3A_17 = arith.addi %mul3A_2, %add3A_11 : i32
      "tpu.region"() ({
        %run_scoped3A = tpu.sem_alloc : memref<!tpu.dma_semaphore, #tpu.memory_space<semaphore_mem>>
        %dma_start3A_18 = arith.constant 0 : i32
        %dma_start3A_19 = tpu.memref_slice %arg4[%add3A_17, %dma_start3A_18] : memref<25600x128xf32, #tpu.memory_space<hbm>> -> memref<400x128xf32, #tpu.memory_space<hbm>>
        %dma_start3A_20 = arith.constant 0 : i32
        %dma_start3A_21 = tpu.memref_slice %arg4[%add3A_17, %dma_start3A_20] : memref<25600x128xf32, #tpu.memory_space<hbm>> -> memref<400x128xf32, #tpu.memory_space<hbm>>
        tpu.enqueue_dma source(%arg6 : memref<400x128xf32, #tpu.memory_space<vmem>>) target(%dma_start3A_21 : memref<400x128xf32, #tpu.memory_space<hbm>>) target_semaphore(%run_scoped3A : memref<!tpu.dma_semaphore, #tpu.memory_space<semaphore_mem>>)
        %dma_wait3A_22 = arith.constant 0 : i32
        %dma_wait3A_23 = tpu.memref_slice %arg4[%add3A_17, %dma_wait3A_22] : memref<25600x128xf32, #tpu.memory_space<hbm>> -> memref<400x128xf32, #tpu.memory_space<hbm>>
        %dma_wait3A_24 = arith.constant 0 : i32
        %dma_wait3A_25 = tpu.memref_slice %arg4[%add3A_17, %dma_wait3A_24] : memref<25600x128xf32, #tpu.memory_space<hbm>> -> memref<400x128xf32, #tpu.memory_space<hbm>>
        tpu.wait_dma2 semaphore(%run_scoped3A : memref<!tpu.dma_semaphore, #tpu.memory_space<semaphore_mem>>) src(%arg6 : memref<400x128xf32, #tpu.memory_space<vmem>>) dst(%dma_wait3A_25 : memref<400x128xf32, #tpu.memory_space<hbm>>)
        tpu.yield
      }) : () -> ()
    }
    %scan3A_6 = arith.constant 2 : i32
    return
  }
}

module attributes {stable_mosaic.version = 14 : i64} {
  func.func @_q_body(%arg0: i32, %arg1: memref<128x50x128xf32, #tpu.memory_space<vmem>>, %arg2: memref<256x640xf32, #tpu.memory_space<vmem>>, %arg3: memref<128x256xf32, #tpu.memory_space<vmem>>, %arg4: memref<1x128xf32, #tpu.memory_space<vmem>>, %arg5: memref<1x128xf32, #tpu.memory_space<vmem>>, %arg6: memref<1x128xf32, #tpu.memory_space<vmem>>, %arg7: memref<384x128xf32, #tpu.memory_space<vmem>>, %arg8: memref<1x128xf32, #tpu.memory_space<vmem>>, %arg9: memref<128x128xf32, #tpu.memory_space<vmem>>) attributes {dimension_semantics = [#tpu.dimension_semantics<arbitrary>], iteration_bounds = array<i64: 4>, scalar_prefetch = 0 : i64, scratch_operands = 0 : i64, tpu.core_type = #tpu.core_type<tc>, window_params = [{transform_indices = @transform_0, window_bounds = array<i64: 128, 50, 128>}, {pipeline_mode = #tpu.pipeline_mode<synchronous>, transform_indices = @transform_1, window_bounds = array<i64: 256, 640>}, {pipeline_mode = #tpu.pipeline_mode<synchronous>, transform_indices = @transform_2, window_bounds = array<i64: 128, 256>}, {pipeline_mode = #tpu.pipeline_mode<synchronous>, transform_indices = @transform_3, window_bounds = array<i64: 1, 128>}, {pipeline_mode = #tpu.pipeline_mode<synchronous>, transform_indices = @transform_4, window_bounds = array<i64: 1, 128>}, {pipeline_mode = #tpu.pipeline_mode<synchronous>, transform_indices = @transform_5, window_bounds = array<i64: 1, 128>}, {pipeline_mode = #tpu.pipeline_mode<synchronous>, transform_indices = @transform_6, window_bounds = array<i64: 384, 128>}, {pipeline_mode = #tpu.pipeline_mode<synchronous>, transform_indices = @transform_7, window_bounds = array<i64: 1, 128>}, {transform_indices = @transform_8, window_bounds = array<i64: 128, 128>}]} {
    %get3A = arith.constant 0 : index
    %get3A_0 = arith.constant 0 : index
    %get3A_1 = arith.constant 0 : index
    %get3A_2 = vector.load %arg1[%get3A, %get3A_0, %get3A_1] : memref<128x50x128xf32, #tpu.memory_space<vmem>>, vector<128x50x128xf32>
    %reshape3A = vector.shape_cast %get3A_2 : vector<128x50x128xf32> to vector<6400x128xf32>
    %slice3A = vector.extract_strided_slice %reshape3A {offsets = [1, 0], sizes = [6399, 128], strides = [1, 1]} : vector<6400x128xf32> to vector<6399x128xf32>
    %broadcast_in_dim3A = arith.constant 0.000000e+00 : f32
    %broadcast_in_dim3A_3 = vector.broadcast %broadcast_in_dim3A : f32 to vector<1x128xf32>
    %concatenate3A = tpu.concatenate %slice3A, %broadcast_in_dim3A_3 in 0 : vector<6399x128xf32>, vector<1x128xf32> -> vector<6400x128xf32>
    %concatenate3A_4 = tpu.concatenate %reshape3A, %concatenate3A in 1 : vector<6400x128xf32>, vector<6400x128xf32> -> vector<6400x256xf32>
    %get3A_5 = arith.constant 0 : index
    %get3A_6 = arith.constant 0 : index
    %get3A_7 = vector.load %arg2[%get3A_5, %get3A_6] : memref<256x640xf32, #tpu.memory_space<vmem>>, vector<256x640xf32>
    %dot_general3A = arith.constant dense<0.000000e+00> : vector<6400x640xf32>
    %dot_general3A_8 = tpu.matmul %concatenate3A_4, %get3A_7, %dot_general3A {dimension_numbers = #tpu.dot_dimension_numbers<[1], [0], [0], [1], [0, 0, 1, 1], [], []>, transpose_lhs_hint = false} : vector<6400x256xf32>, vector<256x640xf32>, vector<6400x640xf32> -> vector<6400x640xf32>
    %get3A_9 = arith.constant 0 : index
    %get3A_10 = arith.constant 0 : index
    %get3A_11 = vector.load %arg3[%get3A_9, %get3A_10] : memref<128x256xf32, #tpu.memory_space<vmem>>, vector<128x256xf32>
    %dot_general3A_12 = arith.constant dense<0.000000e+00> : vector<6400x256xf32>
    %dot_general3A_13 = tpu.matmul %reshape3A, %get3A_11, %dot_general3A_12 {dimension_numbers = #tpu.dot_dimension_numbers<[1], [0], [0], [1], [0, 0, 1, 1], [], []>, transpose_lhs_hint = false} : vector<6400x128xf32>, vector<128x256xf32>, vector<6400x256xf32> -> vector<6400x256xf32>
    %reshape3A_14 = vector.shape_cast %dot_general3A_8 : vector<6400x640xf32> to vector<128x50x640xf32>
    %reshape3A_15 = vector.shape_cast %dot_general3A_13 : vector<6400x256xf32> to vector<128x50x256xf32>
    %slice3A_16 = vector.extract_strided_slice %reshape3A_14 {offsets = [0, 0, 0], sizes = [128, 48, 128], strides = [1, 1, 1]} : vector<128x50x640xf32> to vector<128x48x128xf32>
    %slice3A_17 = vector.extract_strided_slice %reshape3A_15 {offsets = [0, 2, 0], sizes = [128, 48, 128], strides = [1, 1, 1]} : vector<128x50x256xf32> to vector<128x48x128xf32>
    %add3A = arith.addf %slice3A_16, %slice3A_17 : vector<128x48x128xf32>
    %slice3A_18 = vector.extract_strided_slice %reshape3A_14 {offsets = [0, 0, 128], sizes = [128, 47, 128], strides = [1, 1, 1]} : vector<128x50x640xf32> to vector<128x47x128xf32>
    %slice3A_19 = vector.extract_strided_slice %reshape3A_14 {offsets = [0, 2, 256], sizes = [128, 47, 128], strides = [1, 1, 1]} : vector<128x50x640xf32> to vector<128x47x128xf32>
    %add3A_20 = arith.addf %slice3A_18, %slice3A_19 : vector<128x47x128xf32>
    %slice3A_21 = vector.extract_strided_slice %reshape3A_14 {offsets = [0, 0, 384], sizes = [128, 46, 128], strides = [1, 1, 1]} : vector<128x50x640xf32> to vector<128x46x128xf32>
    %slice3A_22 = vector.extract_strided_slice %reshape3A_14 {offsets = [0, 2, 512], sizes = [128, 46, 128], strides = [1, 1, 1]} : vector<128x50x640xf32> to vector<128x46x128xf32>
    %add3A_23 = arith.addf %slice3A_21, %slice3A_22 : vector<128x46x128xf32>
    %slice3A_24 = vector.extract_strided_slice %reshape3A_15 {offsets = [0, 4, 128], sizes = [128, 46, 128], strides = [1, 1, 1]} : vector<128x50x256xf32> to vector<128x46x128xf32>
    %add3A_25 = arith.addf %add3A_23, %slice3A_24 : vector<128x46x128xf32>
    %reduce_max3A = arith.constant dense<0xFF800000> : vector<128x128xf32>
    %reduce_max3A_26 = vector.multi_reduction <maximumf>, %add3A, %reduce_max3A [1] : vector<128x48x128xf32> to vector<128x128xf32>
    %get3A_27 = arith.constant 0 : index
    %get3A_28 = arith.constant 0 : index
    %get3A_29 = vector.load %arg4[%get3A_27, %get3A_28] : memref<1x128xf32, #tpu.memory_space<vmem>>, vector<1x128xf32>
    %add3A_30 = vector.broadcast %get3A_29 : vector<1x128xf32> to vector<128x128xf32>
    %add3A_31 = arith.addf %reduce_max3A_26, %add3A_30 : vector<128x128xf32>
    %max3A = arith.constant 0.000000e+00 : f32
    %max3A_32 = vector.broadcast %max3A : f32 to vector<128x128xf32>
    %max3A_33 = arith.maximumf %add3A_31, %max3A_32 : vector<128x128xf32>
    %reduce_max3A_34 = arith.constant dense<0xFF800000> : vector<128x128xf32>
    %reduce_max3A_35 = vector.multi_reduction <maximumf>, %add3A_20, %reduce_max3A_34 [1] : vector<128x47x128xf32> to vector<128x128xf32>
    %get3A_36 = arith.constant 0 : index
    %get3A_37 = arith.constant 0 : index
    %get3A_38 = vector.load %arg5[%get3A_36, %get3A_37] : memref<1x128xf32, #tpu.memory_space<vmem>>, vector<1x128xf32>
    %add3A_39 = vector.broadcast %get3A_38 : vector<1x128xf32> to vector<128x128xf32>
    %add3A_40 = arith.addf %reduce_max3A_35, %add3A_39 : vector<128x128xf32>
    %max3A_41 = arith.constant 0.000000e+00 : f32
    %max3A_42 = vector.broadcast %max3A_41 : f32 to vector<128x128xf32>
    %max3A_43 = arith.maximumf %add3A_40, %max3A_42 : vector<128x128xf32>
    %reduce_max3A_44 = arith.constant dense<0xFF800000> : vector<128x128xf32>
    %reduce_max3A_45 = vector.multi_reduction <maximumf>, %add3A_25, %reduce_max3A_44 [1] : vector<128x46x128xf32> to vector<128x128xf32>
    %get3A_46 = arith.constant 0 : index
    %get3A_47 = arith.constant 0 : index
    %get3A_48 = vector.load %arg6[%get3A_46, %get3A_47] : memref<1x128xf32, #tpu.memory_space<vmem>>, vector<1x128xf32>
    %add3A_49 = vector.broadcast %get3A_48 : vector<1x128xf32> to vector<128x128xf32>
    %add3A_50 = arith.addf %reduce_max3A_45, %add3A_49 : vector<128x128xf32>
    %max3A_51 = arith.constant 0.000000e+00 : f32
    %max3A_52 = vector.broadcast %max3A_51 : f32 to vector<128x128xf32>
    %max3A_53 = arith.maximumf %add3A_50, %max3A_52 : vector<128x128xf32>
    %broadcast_in_dim3A_54 = arith.constant 0.000000e+00 : f32
    %broadcast_in_dim3A_55 = vector.broadcast %broadcast_in_dim3A_54 : f32 to vector<128x128xf32>
    %get3A_56 = arith.constant 0 : index
    %get3A_57 = arith.constant 0 : index
    %get3A_58 = vector.load %arg8[%get3A_56, %get3A_57] : memref<1x128xf32, #tpu.memory_space<vmem>>, vector<1x128xf32>
    %add3A_59 = vector.broadcast %get3A_58 : vector<1x128xf32> to vector<128x128xf32>
    %add3A_60 = arith.addf %broadcast_in_dim3A_55, %add3A_59 : vector<128x128xf32>
    %get3A_61 = arith.constant 0 : index
    %get3A_62 = arith.constant 0 : index
    %get3A_63 = vector.load %arg7[%get3A_61, %get3A_62] : memref<384x128xf32, #tpu.memory_space<vmem>>, vector<128x128xf32>
    %dot_general3A_64 = arith.constant dense<0.000000e+00> : vector<128x128xf32>
    %dot_general3A_65 = tpu.matmul %max3A_33, %get3A_63, %dot_general3A_64 {dimension_numbers = #tpu.dot_dimension_numbers<[1], [0], [0], [1], [0, 0, 1, 1], [], []>, transpose_lhs_hint = false} : vector<128x128xf32>, vector<128x128xf32>, vector<128x128xf32> -> vector<128x128xf32>
    %add3A_66 = arith.addf %add3A_60, %dot_general3A_65 : vector<128x128xf32>
    %get3A_67 = arith.constant 128 : index
    %get3A_68 = arith.constant 0 : index
    %get3A_69 = vector.load %arg7[%get3A_67, %get3A_68] : memref<384x128xf32, #tpu.memory_space<vmem>>, vector<128x128xf32>
    %dot_general3A_70 = arith.constant dense<0.000000e+00> : vector<128x128xf32>
    %dot_general3A_71 = tpu.matmul %max3A_43, %get3A_69, %dot_general3A_70 {dimension_numbers = #tpu.dot_dimension_numbers<[1], [0], [0], [1], [0, 0, 1, 1], [], []>, transpose_lhs_hint = false} : vector<128x128xf32>, vector<128x128xf32>, vector<128x128xf32> -> vector<128x128xf32>
    %add3A_72 = arith.addf %add3A_66, %dot_general3A_71 : vector<128x128xf32>
    %get3A_73 = arith.constant 256 : index
    %get3A_74 = arith.constant 0 : index
    %get3A_75 = vector.load %arg7[%get3A_73, %get3A_74] : memref<384x128xf32, #tpu.memory_space<vmem>>, vector<128x128xf32>
    %dot_general3A_76 = arith.constant dense<0.000000e+00> : vector<128x128xf32>
    %dot_general3A_77 = tpu.matmul %max3A_53, %get3A_75, %dot_general3A_76 {dimension_numbers = #tpu.dot_dimension_numbers<[1], [0], [0], [1], [0, 0, 1, 1], [], []>, transpose_lhs_hint = false} : vector<128x128xf32>, vector<128x128xf32>, vector<128x128xf32> -> vector<128x128xf32>
    %add3A_78 = arith.addf %add3A_72, %dot_general3A_77 : vector<128x128xf32>
    %mul3A = arith.mulf %add3A_78, %add3A_78 : vector<128x128xf32>
    %reduce_sum3A = arith.constant dense<0.000000e+00> : vector<128xf32>
    %reduce_sum3A_79 = vector.multi_reduction <add>, %mul3A, %reduce_sum3A [1] : vector<128x128xf32> to vector<128xf32>
    %broadcast_in_dim3A_80 = vector.shape_cast %reduce_sum3A_79 : vector<128xf32> to vector<128x1xf32>
    %sqrt3A = math.sqrt %broadcast_in_dim3A_80 : vector<128x1xf32>
    %add3A_81 = arith.constant 9.99999993E-9 : f32
    %add3A_82 = vector.broadcast %add3A_81 : f32 to vector<128x1xf32>
    %add3A_83 = arith.addf %sqrt3A, %add3A_82 : vector<128x1xf32>
    %div3A = vector.broadcast %add3A_83 : vector<128x1xf32> to vector<128x128xf32>
    %div3A_84 = arith.divf %add3A_78, %div3A : vector<128x128xf32>
    %swap3A = arith.constant 0 : index
    %swap3A_85 = arith.constant 0 : index
    %swap3A_86 = vector.load %arg9[%swap3A, %swap3A_85] : memref<128x128xf32, #tpu.memory_space<vmem>>, vector<128x128xf32>
    tpu.vector_store %arg9[%swap3A, %swap3A_85], %div3A_84 {strides = array<i32>} : memref<128x128xf32, #tpu.memory_space<vmem>>, vector<128x128xf32>,
    return
  }
  func.func @transform_0(%arg0: i32) -> (i32, i32, i32) {
    %c0_i32 = arith.constant 0 : i32
    %c0_i32_0 = arith.constant 0 : i32
    %c0_i32_1 = arith.constant 0 : i32
    return %arg0, %c0_i32, %c0_i32_0 : i32, i32, i32
  }
  func.func @transform_1(%arg0: i32) -> (i32, i32) {
    %c0_i32 = arith.constant 0 : i32
    %c0_i32_0 = arith.constant 0 : i32
    %c0_i32_1 = arith.constant 0 : i32
    return %c0_i32, %c0_i32_0 : i32, i32
  }
  func.func @transform_2(%arg0: i32) -> (i32, i32) {
    %c0_i32 = arith.constant 0 : i32
    %c0_i32_0 = arith.constant 0 : i32
    %c0_i32_1 = arith.constant 0 : i32
    return %c0_i32, %c0_i32_0 : i32, i32
  }
  func.func @transform_3(%arg0: i32) -> (i32, i32) {
    %c0_i32 = arith.constant 0 : i32
    %c0_i32_0 = arith.constant 0 : i32
    %c0_i32_1 = arith.constant 0 : i32
    return %c0_i32, %c0_i32_0 : i32, i32
  }
  func.func @transform_4(%arg0: i32) -> (i32, i32) {
    %c0_i32 = arith.constant 0 : i32
    %c0_i32_0 = arith.constant 0 : i32
    %c0_i32_1 = arith.constant 0 : i32
    return %c0_i32, %c0_i32_0 : i32, i32
  }
  func.func @transform_5(%arg0: i32) -> (i32, i32) {
    %c0_i32 = arith.constant 0 : i32
    %c0_i32_0 = arith.constant 0 : i32
    %c0_i32_1 = arith.constant 0 : i32
    return %c0_i32, %c0_i32_0 : i32, i32
  }
  func.func @transform_6(%arg0: i32) -> (i32, i32) {
    %c0_i32 = arith.constant 0 : i32
    %c0_i32_0 = arith.constant 0 : i32
    %c0_i32_1 = arith.constant 0 : i32
    return %c0_i32, %c0_i32_0 : i32, i32
  }
  func.func @transform_7(%arg0: i32) -> (i32, i32) {
    %c0_i32 = arith.constant 0 : i32
    %c0_i32_0 = arith.constant 0 : i32
    %c0_i32_1 = arith.constant 0 : i32
    return %c0_i32, %c0_i32_0 : i32, i32
  }
  func.func @transform_8(%arg0: i32) -> (i32, i32) {
    %c0_i32 = arith.constant 0 : i32
    %c0_i32_0 = arith.constant 0 : i32
    return %arg0, %c0_i32 : i32, i32
  }
}

module attributes {stable_mosaic.version = 14 : i64} {
  func.func @_mem_body(%arg0: i32, %arg1: i32, %arg2: memref<1024x1xi32, #tpu.memory_space<vmem>>, %arg3: memref<1024x128xf32, #tpu.memory_space<vmem>>, %arg4: memref<4096x128xf32, #tpu.memory_space<vmem>>, %arg5: memref<1x1x4096xi32, #tpu.memory_space<vmem>>, %arg6: memref<1x1xf32, #tpu.memory_space<vmem>>, %arg7: memref<1x1xf32, #tpu.memory_space<vmem>>, %arg8: memref<1x3xf32, #tpu.memory_space<vmem>>, %arg9: memref<1024x1xf32, #tpu.memory_space<vmem>>, %arg10: memref<1024x1xf32, #tpu.memory_space<vmem>>, %arg11: memref<1024x1xf32, #tpu.memory_space<vmem>>) attributes {dimension_semantics = [#tpu.dimension_semantics<arbitrary>, #tpu.dimension_semantics<arbitrary>], iteration_bounds = array<i64: 2, 25>, scalar_prefetch = 0 : i64, scratch_operands = 3 : i64, tpu.core_type = #tpu.core_type<tc>, window_params = [{pipeline_mode = #tpu.pipeline_mode<synchronous>, transform_indices = @transform_0, window_bounds = array<i64: 1024, 1>}, {pipeline_mode = #tpu.pipeline_mode<synchronous>, transform_indices = @transform_1, window_bounds = array<i64: 1024, 128>}, {transform_indices = @transform_2, window_bounds = array<i64: 4096, 128>}, {transform_indices = @transform_3, window_bounds = array<i64: 1, 1, 4096>}, {pipeline_mode = #tpu.pipeline_mode<synchronous>, transform_indices = @transform_4, window_bounds = array<i64: 1, 1>}, {pipeline_mode = #tpu.pipeline_mode<synchronous>, transform_indices = @transform_5, window_bounds = array<i64: 1, 1>}, {pipeline_mode = #tpu.pipeline_mode<synchronous>, transform_indices = @transform_6, window_bounds = array<i64: 1, 3>}]} {
    %get3A = arith.constant 0 : index
    %get3A_0 = arith.constant 0 : index
    %get3A_1 = vector.load %arg3[%get3A, %get3A_0] : memref<1024x128xf32, #tpu.memory_space<vmem>>, vector<1024x128xf32>
    %get3A_2 = arith.constant 0 : index
    %get3A_3 = arith.constant 0 : index
    %get3A_4 = vector.load %arg4[%get3A_2, %get3A_3] : memref<4096x128xf32, #tpu.memory_space<vmem>>, vector<4096x128xf32>
    %dot_general3A = arith.constant dense<0.000000e+00> : vector<1024x4096xf32>
    %dot_general3A_5 = tpu.matmul %get3A_1, %get3A_4, %dot_general3A {dimension_numbers = #tpu.dot_dimension_numbers<[1], [1], [0], [0], [0, 0, 1, 0], [], []>, transpose_lhs_hint = false} : vector<1024x128xf32>, vector<4096x128xf32>, vector<1024x4096xf32> -> vector<1024x4096xf32>
    %mul3A = arith.constant 4096 : i32
    %mul3A_6 = arith.muli %arg1, %mul3A : i32
    %iota3A = tpu.iota {dimensions = array<i32: 1>} : vector<1x4096xi32>
    %add3A = vector.broadcast %mul3A_6 : i32 to vector<1x4096xi32>
    %add3A_7 = arith.addi %add3A, %iota3A : vector<1x4096xi32>
    %lt3A = arith.constant 100000 : i32
    %lt3A_8 = vector.broadcast %lt3A : i32 to vector<1x4096xi32>
    %lt3A_9 = arith.cmpi slt, %add3A_7, %lt3A_8 : vector<1x4096xi32>
    %jit3A = arith.constant -1.000000e+09 : f32
    %broadcast_in_dim3A = vector.shape_cast %lt3A_9 : vector<1x4096xi1> to vector<1x4096xi1>
    %broadcast_in_dim3A_10 = vector.broadcast %broadcast_in_dim3A : vector<1x4096xi1> to vector<1024x4096xi1>
    %broadcast_in_dim3A_11 = vector.broadcast %jit3A : f32 to vector<1024x4096xf32>
    %select_n3A = arith.select %broadcast_in_dim3A_10, %dot_general3A_5, %broadcast_in_dim3A_11 : vector<1024x4096xi1>, vector<1024x4096xf32>
    %eq3A = arith.constant 0 : i32
    %eq3A_12 = arith.cmpi eq, %arg0, %eq3A : i32
    %eq3A_13 = arith.constant 0 : i32
    %eq3A_14 = arith.cmpi eq, %arg1, %eq3A_13 : i32
    %and3A = arith.andi %eq3A_12, %eq3A_14 : i1
    %convert_element_type3A = arith.extui %and3A : i1 to i32
    %cond3A = arith.constant 0 : i32
    %cond3A_15 = arith.cmpi ne, %convert_element_type3A, %cond3A : i32
    scf.if %cond3A_15 {
      %broadcast_in_dim3A_34 = arith.constant -1.000000e+09 : f32
      %broadcast_in_dim3A_35 = vector.broadcast %broadcast_in_dim3A_34 : f32 to vector<1024x1xf32>
      %swap3A = arith.constant 0 : index
      %swap3A_36 = arith.constant 0 : index
      %swap3A_37 = vector.load %arg9[%swap3A, %swap3A_36] : memref<1024x1xf32, #tpu.memory_space<vmem>>, vector<1024x1xf32>
      tpu.vector_store %arg9[%swap3A, %swap3A_36], %broadcast_in_dim3A_35 {strides = array<i32>} : memref<1024x1xf32, #tpu.memory_space<vmem>>, vector<1024x1xf32>,
      %broadcast_in_dim3A_38 = arith.constant -1.000000e+09 : f32
      %broadcast_in_dim3A_39 = vector.broadcast %broadcast_in_dim3A_38 : f32 to vector<1024x1xf32>
      %swap3A_40 = arith.constant 0 : index
      %swap3A_41 = arith.constant 0 : index
      %swap3A_42 = vector.load %arg10[%swap3A_40, %swap3A_41] : memref<1024x1xf32, #tpu.memory_space<vmem>>, vector<1024x1xf32>
      tpu.vector_store %arg10[%swap3A_40, %swap3A_41], %broadcast_in_dim3A_39 {strides = array<i32>} : memref<1024x1xf32, #tpu.memory_space<vmem>>, vector<1024x1xf32>,
      %broadcast_in_dim3A_43 = arith.constant 0.000000e+00 : f32
      %broadcast_in_dim3A_44 = vector.broadcast %broadcast_in_dim3A_43 : f32 to vector<1024x1xf32>
      %swap3A_45 = arith.constant 0 : index
      %swap3A_46 = arith.constant 0 : index
      %swap3A_47 = vector.load %arg11[%swap3A_45, %swap3A_46] : memref<1024x1xf32, #tpu.memory_space<vmem>>, vector<1024x1xf32>
      tpu.vector_store %arg11[%swap3A_45, %swap3A_46], %broadcast_in_dim3A_44 {strides = array<i32>} : memref<1024x1xf32, #tpu.memory_space<vmem>>, vector<1024x1xf32>,
    } else {
    }
    %eq3A_16 = arith.constant 0 : i32
    %eq3A_17 = arith.cmpi eq, %arg0, %eq3A_16 : i32
    %convert_element_type3A_18 = arith.extui %eq3A_17 : i1 to i32
    %cond3A_19 = arith.constant 0 : i32
    %cond3A_20 = arith.cmpi ne, %convert_element_type3A_18, %cond3A_19 : i32
    scf.if %cond3A_20 {
      %get3A_34 = arith.constant 0 : index
      %get3A_35 = arith.constant 0 : index
      %get3A_36 = arith.constant 0 : index
      %get3A_37 = vector.load %arg5[%get3A_34, %get3A_35, %get3A_36] : memref<1x1x4096xi32, #tpu.memory_space<vmem>>, vector<1x1x4096xi32>
      %get3A_38 = vector.shape_cast %get3A_37 : vector<1x1x4096xi32> to vector<1x4096xi32>
      %get3A_39 = arith.constant 0 : index
      %get3A_40 = arith.constant 0 : index
      %get3A_41 = vector.load %arg2[%get3A_39, %get3A_40] : memref<1024x1xi32, #tpu.memory_space<vmem>>, vector<1024x1xi32>
      %eq3A_42 = vector.broadcast %get3A_41 : vector<1024x1xi32> to vector<1024x4096xi32>
      %eq3A_43 = vector.broadcast %get3A_38 : vector<1x4096xi32> to vector<1024x4096xi32>
      %eq3A_44 = arith.cmpi eq, %eq3A_42, %eq3A_43 : vector<1024x4096xi32>
      %jit3A_45 = arith.constant -1.000000e+09 : f32
      %broadcast_in_dim3A_46 = vector.broadcast %jit3A_45 : f32 to vector<1024x4096xf32>
      %select_n3A_47 = arith.select %eq3A_44, %select_n3A, %broadcast_in_dim3A_46 : vector<1024x4096xi1>, vector<1024x4096xf32>
      %reduce_max3A = arith.constant dense<0xFF800000> : vector<1024xf32>
      %reduce_max3A_48 = vector.multi_reduction <maximumf>, %select_n3A_47, %reduce_max3A [1] : vector<1024x4096xf32> to vector<1024xf32>
      %broadcast_in_dim3A_49 = vector.shape_cast %reduce_max3A_48 : vector<1024xf32> to vector<1024x1xf32>
      %jit3A_50 = arith.constant -1.000000e+09 : f32
      %broadcast_in_dim3A_51 = vector.broadcast %jit3A_50 : f32 to vector<1024x4096xf32>
      %select_n3A_52 = arith.select %eq3A_44, %broadcast_in_dim3A_51, %select_n3A : vector<1024x4096xi1>, vector<1024x4096xf32>
      %reduce_max3A_53 = arith.constant dense<0xFF800000> : vector<1024xf32>
      %reduce_max3A_54 = vector.multi_reduction <maximumf>, %select_n3A_52, %reduce_max3A_53 [1] : vector<1024x4096xf32> to vector<1024xf32>
      %broadcast_in_dim3A_55 = vector.shape_cast %reduce_max3A_54 : vector<1024xf32> to vector<1024x1xf32>
      %get3A_56 = arith.constant 0 : index
      %get3A_57 = arith.constant 0 : index
      %get3A_58 = vector.load %arg9[%get3A_56, %get3A_57] : memref<1024x1xf32, #tpu.memory_space<vmem>>, vector<1024x1xf32>
      %max3A = arith.maximumf %get3A_58, %broadcast_in_dim3A_49 : vector<1024x1xf32>
      %swap3A = arith.constant 0 : index
      %swap3A_59 = arith.constant 0 : index
      %swap3A_60 = vector.load %arg9[%swap3A, %swap3A_59] : memref<1024x1xf32, #tpu.memory_space<vmem>>, vector<1024x1xf32>
      tpu.vector_store %arg9[%swap3A, %swap3A_59], %max3A {strides = array<i32>} : memref<1024x1xf32, #tpu.memory_space<vmem>>, vector<1024x1xf32>,
      %get3A_61 = arith.constant 0 : index
      %get3A_62 = arith.constant 0 : index
      %get3A_63 = vector.load %arg10[%get3A_61, %get3A_62] : memref<1024x1xf32, #tpu.memory_space<vmem>>, vector<1024x1xf32>
      %max3A_64 = arith.maximumf %get3A_63, %broadcast_in_dim3A_55 : vector<1024x1xf32>
      %swap3A_65 = arith.constant 0 : index
      %swap3A_66 = arith.constant 0 : index
      %swap3A_67 = vector.load %arg10[%swap3A_65, %swap3A_66] : memref<1024x1xf32, #tpu.memory_space<vmem>>, vector<1024x1xf32>
      tpu.vector_store %arg10[%swap3A_65, %swap3A_66], %max3A_64 {strides = array<i32>} : memref<1024x1xf32, #tpu.memory_space<vmem>>, vector<1024x1xf32>,
    } else {
    }
    %eq3A_21 = arith.constant 1 : i32
    %eq3A_22 = arith.cmpi eq, %arg0, %eq3A_21 : i32
    %convert_element_type3A_23 = arith.extui %eq3A_22 : i1 to i32
    %cond3A_24 = arith.constant 0 : i32
    %cond3A_25 = arith.cmpi ne, %convert_element_type3A_23, %cond3A_24 : i32
    scf.if %cond3A_25 {
      %get3A_34 = arith.constant 0 : index
      %get3A_35 = arith.constant 0 : index
      %get3A_36 = vector.load %arg9[%get3A_34, %get3A_35] : memref<1024x1xf32, #tpu.memory_space<vmem>>, vector<1024x1xf32>
      %gt3A = vector.broadcast %get3A_36 : vector<1024x1xf32> to vector<1024x4096xf32>
      %gt3A_37 = arith.cmpf ogt, %select_n3A, %gt3A : vector<1024x4096xf32>
      %get3A_38 = arith.constant 0 : index
      %get3A_39 = arith.constant 0 : index
      %get3A_40 = vector.load %arg11[%get3A_38, %get3A_39] : memref<1024x1xf32, #tpu.memory_space<vmem>>, vector<1024x1xf32>
      %convert_element_type3A_41 = arith.extui %gt3A_37 : vector<1024x4096xi1> to vector<1024x4096xi32>
      %convert_element_type3A_42 = arith.sitofp %convert_element_type3A_41 : vector<1024x4096xi32> to vector<1024x4096xf32>
      %reduce_sum3A = arith.constant dense<0.000000e+00> : vector<1024xf32>
      %reduce_sum3A_43 = vector.multi_reduction <add>, %convert_element_type3A_42, %reduce_sum3A [1] : vector<1024x4096xf32> to vector<1024xf32>
      %broadcast_in_dim3A_44 = vector.shape_cast %reduce_sum3A_43 : vector<1024xf32> to vector<1024x1xf32>
      %add3A_45 = arith.addf %get3A_40, %broadcast_in_dim3A_44 : vector<1024x1xf32>
      %swap3A = arith.constant 0 : index
      %swap3A_46 = arith.constant 0 : index
      %swap3A_47 = vector.load %arg11[%swap3A, %swap3A_46] : memref<1024x1xf32, #tpu.memory_space<vmem>>, vector<1024x1xf32>
      tpu.vector_store %arg11[%swap3A, %swap3A_46], %add3A_45 {strides = array<i32>} : memref<1024x1xf32, #tpu.memory_space<vmem>>, vector<1024x1xf32>,
    } else {
    }
    %eq3A_26 = arith.constant 1 : i32
    %eq3A_27 = arith.cmpi eq, %arg0, %eq3A_26 : i32
    %eq3A_28 = arith.constant 24 : i32
    %eq3A_29 = arith.cmpi eq, %arg1, %eq3A_28 : i32
    %and3A_30 = arith.andi %eq3A_27, %eq3A_29 : i1
    %convert_element_type3A_31 = arith.extui %and3A_30 : i1 to i32
    %cond3A_32 = arith.constant 0 : i32
    %cond3A_33 = arith.cmpi ne, %convert_element_type3A_31, %cond3A_32 : i32
    scf.if %cond3A_33 {
      %get3A_34 = arith.constant 0 : index
      %get3A_35 = arith.constant 0 : index
      %get3A_36 = vector.load %arg9[%get3A_34, %get3A_35] : memref<1024x1xf32, #tpu.memory_space<vmem>>, vector<1024x1xf32>
      %get3A_37 = arith.constant 0 : index
      %get3A_38 = arith.constant 0 : index
      %get3A_39 = vector.load %arg10[%get3A_37, %get3A_38] : memref<1024x1xf32, #tpu.memory_space<vmem>>, vector<1024x1xf32>
      %get3A_40 = arith.constant 0 : index
      %get3A_41 = arith.constant 0 : index
      %get3A_42 = vector.load %arg11[%get3A_40, %get3A_41] : memref<1024x1xf32, #tpu.memory_space<vmem>>, vector<1024x1xf32>
      %sub3A = arith.subf %get3A_39, %get3A_36 : vector<1024x1xf32>
      %add3A_43 = arith.constant 1.000000e-01 : f32
      %add3A_44 = vector.broadcast %add3A_43 : f32 to vector<1024x1xf32>
      %add3A_45 = arith.addf %sub3A, %add3A_44 : vector<1024x1xf32>
      %max3A = arith.constant 0.000000e+00 : f32
      %max3A_46 = vector.broadcast %max3A : f32 to vector<1024x1xf32>
      %max3A_47 = arith.maximumf %add3A_45, %max3A_46 : vector<1024x1xf32>
      %reduce_sum3A = vector.shape_cast %max3A_47 : vector<1024x1xf32> to vector<1x1024x1xf32>
      %reduce_sum3A_48 = arith.constant dense<0.000000e+00> : vector<1xf32>
      %reduce_sum3A_49 = vector.multi_reduction <add>, %reduce_sum3A, %reduce_sum3A_48 [1, 2] : vector<1x1024x1xf32> to vector<1xf32>
      %reduce_sum3A_50 = vector.shape_cast %reduce_sum3A_49 : vector<1xf32> to vector<1x1x1xf32>
      %reduce_sum3A_51 = vector.extract %reduce_sum3A_50[0, 0, 0] : f32 from vector<1x1x1xf32>
      %div3A = arith.constant 1.024000e+03 : f32
      %div3A_52 = arith.divf %reduce_sum3A_51, %div3A : f32
      %reshape3A = vector.broadcast %div3A_52 : f32 to vector<1x1xf32>
      %swap3A = arith.constant 0 : index
      %swap3A_53 = arith.constant 0 : index
      %swap3A_54 = vector.load %arg6[%swap3A, %swap3A_53] : memref<1x1xf32, #tpu.memory_space<vmem>>, vector<1x1xf32>
      tpu.vector_store %arg6[%swap3A, %swap3A_53], %reshape3A {strides = array<i32>} : memref<1x1xf32, #tpu.memory_space<vmem>>, vector<1x1xf32>,
      %lt3A_55 = arith.constant 1.000000e+00 : f32
      %lt3A_56 = vector.broadcast %lt3A_55 : f32 to vector<1024x1xf32>
      %lt3A_57 = arith.cmpf olt, %get3A_42, %lt3A_56 : vector<1024x1xf32>
      %convert_element_type3A_58 = arith.extui %lt3A_57 : vector<1024x1xi1> to vector<1024x1xi32>
      %convert_element_type3A_59 = arith.sitofp %convert_element_type3A_58 : vector<1024x1xi32> to vector<1024x1xf32>
      %reduce_sum3A_60 = vector.shape_cast %convert_element_type3A_59 : vector<1024x1xf32> to vector<1x1024x1xf32>
      %reduce_sum3A_61 = arith.constant dense<0.000000e+00> : vector<1xf32>
      %reduce_sum3A_62 = vector.multi_reduction <add>, %reduce_sum3A_60, %reduce_sum3A_61 [1, 2] : vector<1x1024x1xf32> to vector<1xf32>
      %reduce_sum3A_63 = vector.shape_cast %reduce_sum3A_62 : vector<1xf32> to vector<1x1x1xf32>
      %reduce_sum3A_64 = vector.extract %reduce_sum3A_63[0, 0, 0] : f32 from vector<1x1x1xf32>
      %div3A_65 = arith.constant 1.024000e+03 : f32
      %div3A_66 = arith.divf %reduce_sum3A_64, %div3A_65 : f32
      %reshape3A_67 = vector.broadcast %div3A_66 : f32 to vector<1x1xf32>
      %swap3A_68 = arith.constant 0 : index
      %swap3A_69 = arith.constant 0 : index
      %swap3A_70 = vector.load %arg7[%swap3A_68, %swap3A_69] : memref<1x1xf32, #tpu.memory_space<vmem>>, vector<1x1xf32>
      tpu.vector_store %arg7[%swap3A_68, %swap3A_69], %reshape3A_67 {strides = array<i32>} : memref<1x1xf32, #tpu.memory_space<vmem>>, vector<1x1xf32>,
      %iota3A_71 = tpu.iota {dimensions = array<i32: 1>} : vector<1x3xi32>
      %convert_element_type3A_72 = arith.sitofp %iota3A_71 : vector<1x3xi32> to vector<1x3xf32>
      %add3A_73 = arith.constant 1.000000e+00 : f32
      %add3A_74 = vector.broadcast %add3A_73 : f32 to vector<1x3xf32>
      %add3A_75 = arith.addf %convert_element_type3A_72, %add3A_74 : vector<1x3xf32>
      %add3A_76 = arith.constant 1.000000e+00 : f32
      %add3A_77 = vector.broadcast %add3A_76 : f32 to vector<1x3xf32>
      %add3A_78 = arith.addf %convert_element_type3A_72, %add3A_77 : vector<1x3xf32>
      %mul3A_79 = arith.mulf %add3A_75, %add3A_78 : vector<1x3xf32>
      %add3A_80 = arith.constant 1.000000e+00 : f32
      %add3A_81 = vector.broadcast %add3A_80 : f32 to vector<1x3xf32>
      %add3A_82 = arith.addf %mul3A_79, %add3A_81 : vector<1x3xf32>
      %lt3A_83 = vector.broadcast %get3A_42 : vector<1024x1xf32> to vector<1024x3xf32>
      %lt3A_84 = vector.broadcast %add3A_82 : vector<1x3xf32> to vector<1024x3xf32>
      %lt3A_85 = arith.cmpf olt, %lt3A_83, %lt3A_84 : vector<1024x3xf32>
      %convert_element_type3A_86 = arith.extui %lt3A_85 : vector<1024x3xi1> to vector<1024x3xi32>
      %convert_element_type3A_87 = arith.sitofp %convert_element_type3A_86 : vector<1024x3xi32> to vector<1024x3xf32>
      %reduce_sum3A_88 = arith.constant dense<0.000000e+00> : vector<3xf32>
      %reduce_sum3A_89 = vector.multi_reduction <add>, %convert_element_type3A_87, %reduce_sum3A_88 [0] : vector<1024x3xf32> to vector<3xf32>
      %broadcast_in_dim3A_90 = vector.shape_cast %reduce_sum3A_89 : vector<3xf32> to vector<1x3xf32>
      %div3A_91 = arith.constant 1.024000e+03 : f32
      %div3A_92 = vector.broadcast %div3A_91 : f32 to vector<1x3xf32>
      %div3A_93 = arith.divf %broadcast_in_dim3A_90, %div3A_92 : vector<1x3xf32>
      %swap3A_94 = arith.constant 0 : index
      %swap3A_95 = arith.constant 0 : index
      %swap3A_96 = vector.load %arg8[%swap3A_94, %swap3A_95] : memref<1x3xf32, #tpu.memory_space<vmem>>, vector<1x3xf32>
      tpu.vector_store %arg8[%swap3A_94, %swap3A_95], %div3A_93 {strides = array<i32>} : memref<1x3xf32, #tpu.memory_space<vmem>>, vector<1x3xf32>,
    } else {
    }
    return
  }
  func.func @transform_0(%arg0: i32, %arg1: i32) -> (i32, i32) {
    %c0_i32 = arith.constant 0 : i32
    %c0_i32_0 = arith.constant 0 : i32
    %c0_i32_1 = arith.constant 0 : i32
    return %c0_i32, %c0_i32_0 : i32, i32
  }
  func.func @transform_1(%arg0: i32, %arg1: i32) -> (i32, i32) {
    %c0_i32 = arith.constant 0 : i32
    %c0_i32_0 = arith.constant 0 : i32
    %c0_i32_1 = arith.constant 0 : i32
    return %c0_i32, %c0_i32_0 : i32, i32
  }
  func.func @transform_2(%arg0: i32, %arg1: i32) -> (i32, i32) {
    %c0_i32 = arith.constant 0 : i32
    %c0_i32_0 = arith.constant 0 : i32
    return %arg1, %c0_i32 : i32, i32
  }
  func.func @transform_3(%arg0: i32, %arg1: i32) -> (i32, i32, i32) {
    %c0_i32 = arith.constant 0 : i32
    %c0_i32_0 = arith.constant 0 : i32
    %c0_i32_1 = arith.constant 0 : i32
    return %arg1, %c0_i32, %c0_i32_0 : i32, i32, i32
  }
  func.func @transform_4(%arg0: i32, %arg1: i32) -> (i32, i32) {
    %c0_i32 = arith.constant 0 : i32
    %c0_i32_0 = arith.constant 0 : i32
    %c0_i32_1 = arith.constant 0 : i32
    return %c0_i32, %c0_i32_0 : i32, i32
  }
  func.func @transform_5(%arg0: i32, %arg1: i32) -> (i32, i32) {
    %c0_i32 = arith.constant 0 : i32
    %c0_i32_0 = arith.constant 0 : i32
    %c0_i32_1 = arith.constant 0 : i32
    return %c0_i32, %c0_i32_0 : i32, i32
  }
  func.func @transform_6(%arg0: i32, %arg1: i32) -> (i32, i32) {
    %c0_i32 = arith.constant 0 : i32
    %c0_i32_0 = arith.constant 0 : i32
    %c0_i32_1 = arith.constant 0 : i32
    return %c0_i32, %c0_i32_0 : i32, i32
  }
}

</mosaic_0001>

<sc_bundles>
// kernel: kernel.10.cloned.1.call-start
scs
__scs_entry_jumppad:
0x0: {  	(pc) =	sbr.rel $0x88, $3  }
0x1: {  	(tag) =	ssettag $0x0;
	lr =	simm.s32 $0x1  }
0x2: {  	[smem:$0x3F94] =	sst lr;
	_ =	strace $0xD0000000  }
0x3: {  	_ = 	snop  }
0x4: {  	_ = 	snop  }
0x5: {  	_ = 	snop  }
0x6: {  	_ = 	snop  }
0x7: {  	_ = 	snop  }
__scs_overlays_trampoline_lowered:
0x8: {  	[smem:$0x3FA3] =	sst s0  }
0x9: {  	[smem:$0x3FA4] =	sst s1  }
0xa: {  	[smem:$0x3FA5] =	sst s2  }
0xb: {  	[smem:$0x3FA6] =	sst s3  }
0xc: {  	[smem:$0x3FA7] =	sst s4  }
0xd: {  	[smem:$0x3FA8] =	sst s5  }
0xe: {  	[smem:$0x3FA9] =	sst s6  }
0xf: {  	[smem:$0x3FAA] =	sst s7  }
0x10: {  	[smem:$0x3FAB] =	sst s8  }
0x11: {  	[smem:$0x3FAC] =	sst s9;
	s0 =	simm.s32 @!p0 $0x0  }
0x12: {  	s1 =	sld [smem:$0x3F92];
	s0 =	simm.s32 @p0 $0x1  }
0x13: {  	[smem:$0x3FAD] =	sst s0;
	s0 =	simm.s32 @!p1 $0x0  }
0x14: {  	s2 =	sld [smem:$0x3F91];
	s0 =	simm.s32 @p1 $0x1  }
0x15: {  	[smem:$0x3FAE] =	sst s0;
	s0 =	simm.s32 @!p2 $0x0  }
0x16: {  	s3 =	sld [smem:$0x3FDB];
	s0 =	simm.s32 @p2 $0x1  }
0x17: {  	s4 =	simm.s32 $0x1BF5;
	[smem:$0x3FB0] =	sst s0  }
0x18: {  	s0 =	sld [smem:$0x3F93];
	_ =	swait.ge [sflag:s4], $0x0  }
0x19: {  	s7 =	sld [smem:$0x3F94]  }
0x1a: {  	s8 =	sadd.s32 $0xFFFFE003, lr  }
0x1b: {  	s9 =	sadd.s32 $0xFFFFFEF7, lr;
	s5 =	simm.s32 $0xFFFFFFFF;
	p2 =	slt.u32 s8, $0xFFFFF086  }
0x1c: {  	p1 =	slt.u32 s9, $0xF7A;
	s5 =	simm.s32 @!p2 $0x0  }
0x1d: {  	s5 =	simm.s32 @p1 $0x1;
	p0 =	seq.s32 s7, s2  }
0x1e: {  	s7 =	smul.u32 @!p0 $0xF7A, s2;
	p2 =	seq.s32 @!p0 s5, $0x0  }
0x1f: {  	s9 =	smul.u32 $0xF7A, s1;
	s8 =	simm.s32 @!p0 $0x1BF5;
	p2 =	por !p2, p0  }
0x20: {  	[sflag:s8] =	ssyncset.s32 @!p0 $0xFFFFF086;
	s6 =	sadd.s32 @!p0 s3, s7;
	s7 =	simm.s32 @!p0 $0x108  }
0x21: {  	s3 =	sadd.s32 s3, s9;
	s6 =	sadd.s32 @!p0 $0x88, s6;
	s7 =	simm.s32 @p2 $0x1082  }
0x22: {  	[simem:s7], [sflag:s8] =	dma.local @!p0 [hbm:s6], $0xF7A  }
0x23: {  	s9 =	sor.u32 $0xD0000000, s2;
	s6 =	simm.s32 $0x108;
	_ =	swait.ge @!p0 [sflag:s8], $0x0  }
0x24: {  	s3 =	sadd.s32 $0x88, s3;
	s6 =	simm.s32 @!p1 $0x1082;
	[sflag:s4] =	ssyncset.s32 $0xFFFFF086  }
0x25: {  	[simem:s6], [sflag:s4] =	dma.local [hbm:s3], $0xF7A  }
0x26: {  	[smem:$0x3F94] =	sst s1;
	(tag) =	ssettag s2;
	_ =	strace s9  }
0x27: {  	s1 =	sld [smem:$0x3FA4]  }
0x28: {  	s2 =	sld [smem:$0x3FA5]  }
0x29: {  	s4 =	sld [smem:$0x3FA7]  }
0x2a: {  	p0 =	seq.s32 s5, $0x0;
	s5 =	sld [smem:$0x3FA8]  }
0x2b: {  	s6 =	sld [smem:$0x3FA9]  }
0x2c: {  	s7 =	sld [smem:$0x3FAA]  }
0x2d: {  	s3 =	simm.s32 $0x108;
	s8 =	sld [smem:$0x3FAB]  }
0x2e: {  	s3 =	simm.s32 @!p0 $0x1082;
	s9 =	sld [smem:$0x3FAC]  }
0x2f: {  	lr =	sadd.s32 s0, s3;
	s0 =	sld [smem:$0x3FA3]  }
0x30: {  	s3 =	sld [smem:$0x3FA6]  }
0x31: {  	[smem:$0x3FAF] =	sst s10  }
0x32: {  	s10 =	sld [smem:$0x3FAD];
	_ =	sdelay $0x3  }
0x33: {  	p0 =	seq.s32 s10, $0x1;
	s10 =	sld [smem:$0x3FAF];
	_ =	sdelay $0x3  }
0x34: {  	[smem:$0x3FAF] =	sst s10  }
0x35: {  	s10 =	sld [smem:$0x3FAE];
	_ =	sdelay $0x3  }
0x36: {  	p1 =	seq.s32 s10, $0x1;
	s10 =	sld [smem:$0x3FAF];
	_ =	sdelay $0x3  }
0x37: {  	[smem:$0x3FAF] =	sst s10  }
0x38: {  	s10 =	sld [smem:$0x3FB0]  }
0x39: {  	_ = 	snop;
	(pc) =	sbr.ind lr, $3  }
0x3a: {  	_ = 	snop  }
0x3b: {  	_ = 	snop  }
0x3c: {  	p2 =	seq.s32 s10, $0x1;
	s10 =	sld [smem:$0x3FAF]  }
0x3d: {  	_ =	shalt  }
0x3e: {  	_ =	shalt  }
0x3f: {  	_ =	shalt  }
0x40: {  	_ =	shalt  }
0x41: {  	_ =	shalt  }
0x42: {  	_ =	shalt  }
0x43: {  	_ =	shalt  }
0x44: {  	_ =	shalt  }
0x45: {  	_ =	shalt  }
0x46: {  	_ =	shalt  }
0x47: {  	_ =	shalt  }
0x48: {  	_ =	shalt  }
0x49: {  	_ =	shalt  }
0x4a: {  	_ =	shalt  }
0x4b: {  	_ =	shalt  }
0x4c: {  	_ =	shalt  }
0x4d: {  	_ =	shalt  }
0x4e: {  	_ =	shalt  }
0x4f: {  	_ =	shalt  }
0x50: {  	_ =	shalt  }
0x51: {  	_ =	shalt  }
0x52: {  	_ =	shalt  }
0x53: {  	_ =	shalt  }
0x54: {  	_ =	shalt  }
0x55: {  	_ =	shalt  }
0x56: {  	_ =	shalt  }
0x57: {  	_ =	shalt  }
0x58: {  	_ =	shalt  }
0x59: {  	_ =	shalt  }
0x5a: {  	_ =	shalt  }
0x5b: {  	_ =	shalt  }
0x5c: {  	_ =	shalt  }
0x5d: {  	_ =	shalt  }
0x5e: {  	_ =	shalt  }
0x5f: {  	_ =	shalt  }
0x60: {  	_ =	shalt  }
0x61: {  	_ =	shalt  }
0x62: {  	_ =	shalt  }
0x63: {  	_ =	shalt  }
0x64: {  	_ =	shalt  }
0x65: {  	_ =	shalt  }
0x66: {  	_ =	shalt  }
0x67: {  	_ =	shalt  }
0x68: {  	_ =	shalt  }
0x69: {  	_ =	shalt  }
0x6a: {  	_ =	shalt  }
0x6b: {  	_ =	shalt  }
0x6c: {  	_ =	shalt  }
0x6d: {  	_ =	shalt  }
0x6e: {  	_ =	shalt  }
0x6f: {  	_ =	shalt  }
0x70: {  	_ =	shalt  }
0x71: {  	_ =	shalt  }
0x72: {  	_ =	shalt  }
0x73: {  	_ =	shalt  }
0x74: {  	_ =	shalt  }
0x75: {  	_ =	shalt  }
0x76: {  	_ =	shalt  }
0x77: {  	_ =	shalt  }
0x78: {  	_ =	shalt  }
0x79: {  	_ =	shalt  }
0x7a: {  	_ =	shalt  }
0x7b: {  	_ =	shalt  }
0x7c: {  	_ =	shalt  }
0x7d: {  	_ =	shalt  }
0x7e: {  	_ =	shalt  }
0x7f: {  	_ =	shalt  }
0x80: {  	_ =	shalt  }
0x81: {  	_ =	shalt  }
0x82: {  	_ =	shalt  }
0x83: {  	_ =	shalt  }
0x84: {  	_ =	shalt  }
0x85: {  	_ =	shalt  }
0x86: {  	_ =	shalt  }
0x87: {  	_ =	shalt  }
.Lfunc_end0:
.L_simem_size_0:
called_computation.1_lowered:
.L_overlay_start_0:
0x88: {  	s2 =	sld [smem:$0x3FD9]  }
0x89: {  	s3 =	sld [smem:$0x3FFE];
	_ =	sdelay $0x1  }
0x8a: {  	s1 =	srdreg.scid  }
0x8b: {  	s0 =	sand.u32 $0x1, s1  }
0x8c: {  	s17 =	sshll.u32 s0, $0xA;
	s2 =	sadd.s32 s3, s2  }
0x8d: {  	s2 =	sadd.s32 s2, s17  }
0x8e: {  	[smem:$0x3FBB] =	sst s2  }
0x8f: {  	_ = 	snop  }
0x90: {  	s18 =	sld [smem:$0x3FC7];
	(tm) =	ssettm $0x1  }
0x91: {  	s19 =	sld [smem:$0x3FFB];
	_ =	sdelay $0x3  }
0x92: {  	_ =	strace s19  }
0x93: {  	s2 =	sld [smem:$0x3FFC];
	_ =	sdelay $0x3  }
0x94: {  	_ =	strace s2  }
0x95: {  	s2 =	sld [smem:$0x3FFD];
	_ =	sdelay $0x3  }
0x96: {  	_ =	strace s2  }
0x97: {  	_ =	strace $0x8FFFFFFF  }
0x98: {  	s20 =	sld [smem:$0x3FDB];
	_ =	sdelay $0x1  }
0x99: {  	s4 =	simm.s32 $_scs_section_size  }
0x9a: {  	s5 =	simm.s32 $_size__tile_overlayer_lowered;
	s6 =	simm.s32 $_tile_overlayer_lowered  }
0x9b: {  	s7 =	simm.s32 $0x1BFF;
	s21 =	sshll.u32 s6, $0x1;
	s4 =	sadd.s32 s4, s20  }
0x9c: {  	s22 =	simm.s32 $0x0;
	s5 =	sshll.u32 s5, $0x1;
	s6 =	sadd.s32 s21, s4  }
0x9d: {  	[timem:s22], [sflag:s7] =	dma.local [hbm:s6], s5  }
0x9e: {  	_ =	swait.ge [sflag:s7], s5  }
0x9f: {  	s5 =	ssub.s32 $0x0, s5;
	[sflag:s7] =	ssyncset.done $0x0  }
0xa0: {  	[sflag:s7] =	ssyncadd.s32 s5;
	_ =	sdelay $0x1  }
0xa1: {  	s23 =	simm.s32 $0x1B8B  }
0xa2: {  	_ =	swait.ge [sflag:s23], $0x1  }
0xa3: {  	[sflag:s23] =	ssyncset.done $0x0  }
0xa4: {  	[sflag:s23] =	ssyncadd.s32 $0xFFFFFFFF  }
0xa5: {  	s5 =	sld [smem:$0x0]  }
0xa6: {  	s6 =	sand.u32 $0xFFFFFFFE, s1  }
0xa7: {  	p0 =	sne.s32 s1, s6  }
0xa8: {  	s6 =	sshll.u32 @p0 s6, $0xE  }
0xa9: {  	s6 =	sadd.s32 @p0 $0x11B8D, s6;
	s7 =	sshll.u32 @p0 s5, $0x11  }
0xaa: {  	s6 =	sor.u32 @p0 s7, s6  }
0xab: {  	[sflag:s6] =	ssyncadd.remote.s32 @p0 $0x1;
	_ =	sdelay $0x1  }
0xac: {  	s6 =	simm.s32 @p0 $0x1B8D  }
0xad: {  	_ =	swait.eq @p0 [sflag:s6], $0x1  }
0xae: {  	[sflag:s6] =	ssyncadd.s32 @p0 $0xFFFFFFFF  }
0xaf: {  	s7 =	sshll.u32 @!p0 s1, $0xE  }
0xb0: {  	s7 =	sor.u32 @!p0 $0x4000, s7;
	s6 =	simm.s32 @!p0 $0x1B8D  }
0xb1: {  	s5 =	sshll.u32 @!p0 s5, $0x11;
	s7 =	sadd.s32 @!p0 $0x11B8D, s7;
	_ =	swait.eq @!p0 [sflag:s6], $0x1  }
0xb2: {  	s5 =	sor.u32 @!p0 s5, s7;
	[sflag:s6] =	ssyncadd.s32 @!p0 $0xFFFFFFFF  }
0xb3: {  	s25 =	simm.s32 $0x1B8E;
	s24 =	sld [smem:$0x3FFE];
	[sflag:s5] =	ssyncadd.remote.s32 @!p0 $0x1  }
0xb4: {  	s26 =	simm.s32 $execute0_lowered;
	[smem:$0x3FD2] =	sst s25  }
0xb5: {  	s6 =	sshll.u32 s26, $0x1;
	_ =	strace $0x80000049;
	[dreg:$0x1] =	wrdreg $0xFFFFFFFF  }
0xb6: {  	s28 =	simm.s32 $_size_execute0_lowered;
	s4 =	sadd.s32 s4, s6;
	[dreg:$0x0] =	wrdreg $0x0  }
0xb7: {  	s6 =	sshll.u32 s28, $0x1;
	[dreg:$0x2] =	wrdreg s4  }
0xb8: {  	[dreg:$0x3] =	wrdreg s6  }
0xb9: {  	[dreg:$0x4] =	wrdreg $0xC0  }
0xba: {  	_ =	task [dreg:s22], $0x5FFFF  }
0xbb: {  	[dreg:$0x1] =	wrdreg $0xFFFFFFFF  }
0xbc: {  	[dreg:$0x0] =	wrdreg $0x60  }
0xbd: {  	[dreg:$0x2] =	wrdreg s18  }
0xbe: {  	[dreg:$0x3] =	wrdreg s24  }
0xbf: {  	[dreg:$0x4] =	wrdreg $0xA  }
0xc0: {  	_ =	task.clear_ibuf [dreg:s22], $0x5FFFF;
	_ =	strace $0x90000049  }
0xc1: {  	s29 =	simm.s32 $0xA;
	_ =	strace $0x8000004B  }
0xc2: {  	_ =	swait.ge [sflag:s29], $0x1  }
0xc3: {  	[sflag:s29] =	ssyncadd.s32 $0xFFFFFFFF  }
0xc4: {  	_ =	strace $0x9000004B  }
0xc5: {  	_ =	sfence  }
0xc6: {  	s30 =	sld [smem:$0x0];
	_ =	sdelay $0x2  }
0xc7: {  	s31 =	sshll.u32 s1, $0xD;
	s1 =	sshrl.u32 s1, $0x2  }
0xc8: {  	s4 =	sand.u32 $0x4000, s31;
	s1 =	sadd.s32 s1, s30  }
0xc9: {  	s0 =	sor.u32 s4, s0;
	s1 =	sshll.u32 s1, $0x11  }
0xca: {  	s0 =	sor.u32 s1, s0  }
0xcb: {  	s0 =	sadd.s32 $0x8F2B, s0  }
0xcc: {  	[sflag:s0] =	ssyncadd.remote.s32 $0x1  }
0xcd: {  	_ =	sfence.sel $0xFFFF  }
0xce: {  	[dreg:$0x0] =	wrdreg $0xFFFFFFFF;
	(pc) =	sbr.abs _section_cstart, $3  }
0xcf: {  	[dreg:$0x1] =	wrdreg $0xFFFFFFFF  }
0xd0: {  	_ =	task.clear_ibuf [dreg:s22], $0x2FFFF;
	_ =	strace $0x9FFFFFFF  }
0xd1: {  	(tm) =	ssettm $0x7FFFFFFF  }
tec
execute0_lowered:
.L_overlay_start_1:
0x0: {  	(tag) =	ssettag $0x1  }
0x1: {  	s1 =	srdreg.scid;
	s0 =	stileid.u32  }
0x2: {  	s11 =	sand.u32 $0x1, s1;
	s26 =	sshll.u32 s0, $0x1  }
0x3: {  	s2 =	rddreg [dreg:$0x0];
	s9 =	sor.u32 s11, s26  }
0x4: {  	s10 =	rddreg [dreg:$0x1];
	s12 =	smul.u32 $0x320, s9  }
0x5: {  	s3 =	simm.s32 $0x0;
	s1 =	rddreg [dreg:$0x2]  }
0x6: {  	[smem:$0x7FF] =	sst s3;
	s13 =	sadd.s32 $0x67400, s10;
	s4 =	sshrl.u32 s12, $0x3  }
0x7: {  	_ =	strace $0x8000004A;
	s5 =	sadd.s32 s13, s4;
	s4 =	simm.s32 $0x2  }
0x8: {  	[tilespmem:s3], [sflag:$0x2] =	stream.linear.gather [hbm4b:s5+s3], $0x190, $0x38;
	[tilespmem:$0xCA00] =	vst v63  }
0x9: {  	_ =	swait.ge [sflag:s4], $0x190  }
0xa: {  	s6 =	simm.s32 $0x190;
	[sflag:s4] =	ssyncset.done $0x0  }
0xb: {  	s7 =	simm.s32 $0x200;
	s8 =	simm.s32 $0x1;
	[sflag:s4] =	ssyncadd.s32 $0xFFFFFE70  }
0xc: {  	[tilespmem:s7], [sflag:$0x1] =	stream.indirect.gather [hbm4b:s2+s6], $0x80, s3, s6, $0xb8;
	[tilespmem:$0xCA00] =	vst v63  }
0xd: {  	s9 =	smul.u32 $0x3200, s9;
	_ =	swait.ge [sflag:s8], $0xC800  }
0xe: {  	s14 =	sadd.s32 $0x68200, s10;
	[sflag:s8] =	ssyncset.done $0x0  }
0xf: {  	s9 =	sadd.s32 s14, s9;
	[sflag:s8] =	ssyncadd.s32 $0xFFFF3800  }
0x10: {  	[hbm4b:s9+s3] =	stream.linear.scatter [tilespmem:s7], [sflag:$0x2], $0xC800, $0x38;
	[tilespmem:$0xCA00] =	vst v63  }
0x11: {  	s12 =	sadd.s32 $0x190, s12;
	_ =	swait.ge [sflag:s4], $0xC800  }
0x12: {  	s28 =	sshrl.u32 s12, $0x3;
	[sflag:s4] =	ssyncset.done $0x0  }
0x13: {  	s11 =	ssub.s32 $0x2, s11;
	s10 =	sadd.s32 s13, s28;
	[sflag:s4] =	ssyncadd.s32 $0xFFFF3800  }
0x14: {  	[tilespmem:s3], [sflag:$0x2] =	stream.linear.gather [hbm4b:s10+s3], $0x190, $0x38;
	[tilespmem:$0xCA00] =	vst v63  }
0x15: {  	s29 =	sshrl.u32 s11, $0x1;
	_ =	swait.ge [sflag:s4], $0x190  }
0x16: {  	s13 =	ssub.s32 s11, s29;
	[sflag:s4] =	ssyncset.done $0x0  }
0x17: {  	s31 =	smax.u32 s13, $0x1;
	[sflag:s4] =	ssyncadd.s32 $0xFFFFFE70  }
0x18: {  	[tilespmem:s7], [sflag:$0x1] =	stream.indirect.gather [hbm4b:s2+s6], $0x80, s3, s6, $0xb8;
	[tilespmem:$0xCA00] =	vst v63  }
0x19: {  	p0 =	sne.s32 s31, $0x1;
	_ =	swait.ge [sflag:s8], $0xC800  }
.Ltmp0:
0x1a: {  	s30 =	sshll.u32 s12, $0x4;
	[sflag:s8] =	ssyncset.done $0x0;
	(pc) =	sbr.rel @!p0 .LBB2_2-.Ltmp0, $4  }
0x1b: {  	s11 =	sadd.s32 s14, s30;
	[sflag:s8] =	ssyncadd.s32 $0xFFFF3800  }
0x1c: {  	[hbm4b:s11+s3] =	stream.linear.scatter [tilespmem:s7], [sflag:$0x2], $0xC800, $0x38;
	[tilespmem:$0xCA00] =	vst v63  }
0x1d: {  	_ =	swait.ge [sflag:s4], $0xC800  }
0x1e: {  	s12 =	sadd.s32 $0xFFFFFFFF, s31;
	[sflag:s4] =	ssyncset.done $0x0  }
.LBB2_1:
0x1f: {  	p0 =	sne.s32 s12, $0x1;
	s12 =	sadd.s32 $0xFFFFFFFF, s12;
	[sflag:s4] =	ssyncadd.s32 $0xFFFF3800  }
0x20: {  	[tilespmem:s3], [sflag:$0x2] =	stream.linear.gather [hbm4b:s5+s3], $0x190, $0x38;
	[tilespmem:$0xCA00] =	vst v63  }
0x21: {  	_ =	swait.ge [sflag:s4], $0x190  }
0x22: {  	[sflag:s4] =	ssyncset.done $0x0  }
0x23: {  	[sflag:s4] =	ssyncadd.s32 $0xFFFFFE70  }
0x24: {  	[tilespmem:s7], [sflag:$0x1] =	stream.indirect.gather [hbm4b:s2+s6], $0x80, s3, s6, $0xb8;
	[tilespmem:$0xCA00] =	vst v63  }
0x25: {  	_ =	swait.ge [sflag:s8], $0xC800  }
0x26: {  	[sflag:s8] =	ssyncset.done $0x0  }
0x27: {  	[sflag:s8] =	ssyncadd.s32 $0xFFFF3800  }
0x28: {  	[hbm4b:s9+s3] =	stream.linear.scatter [tilespmem:s7], [sflag:$0x2], $0xC800, $0x38;
	[tilespmem:$0xCA00] =	vst v63  }
0x29: {  	_ =	swait.ge [sflag:s4], $0xC800  }
0x2a: {  	[sflag:s4] =	ssyncset.done $0x0  }
0x2b: {  	[sflag:s4] =	ssyncadd.s32 $0xFFFF3800  }
0x2c: {  	[tilespmem:s3], [sflag:$0x2] =	stream.linear.gather [hbm4b:s10+s3], $0x190, $0x38;
	[tilespmem:$0xCA00] =	vst v63  }
0x2d: {  	_ =	swait.ge [sflag:s4], $0x190  }
0x2e: {  	[sflag:s4] =	ssyncset.done $0x0  }
0x2f: {  	[sflag:s4] =	ssyncadd.s32 $0xFFFFFE70  }
0x30: {  	[tilespmem:s7], [sflag:$0x1] =	stream.indirect.gather [hbm4b:s2+s6], $0x80, s3, s6, $0xb8;
	[tilespmem:$0xCA00] =	vst v63  }
0x31: {  	_ =	swait.ge [sflag:s8], $0xC800  }
.Ltmp1:
0x32: {  	[sflag:s8] =	ssyncset.done $0x0;
	(pc) =	sbr.rel @p0 .LBB2_1-.Ltmp1, $4  }
0x33: {  	[sflag:s8] =	ssyncadd.s32 $0xFFFF3800  }
0x34: {  	[hbm4b:s11+s3] =	stream.linear.scatter [tilespmem:s7], [sflag:$0x2], $0xC800, $0x38;
	[tilespmem:$0xCA00] =	vst v63  }
0x35: {  	_ =	swait.ge [sflag:s4], $0xC800  }
0x36: {  	[sflag:s4] =	ssyncset.done $0x0  }
.LBB2_2:
0x37: {  	[sflag:s4] =	ssyncadd.s32 $0xFFFF3800  }
0x38: {  	_ =	sfence.sel $0x180000  }
0x39: {  	[bflag:$0x0] =	sbarrier.arrive $0xFFFF  }
0x3a: {  	p0 =	sne.s32 s0, $0x0;
	_ =	strace $0x9000004A  }
0x3b: {  	s0 =	sadd.s32 @!p0 $0x100000, s1;
	[bflag:$0x2] =	sbarrier.arrive $0xFFFF  }
0x3c: {  	[sflag:s0] =	ssyncadd.tile.s32 @!p0 $0x1;
	_ =	shalt  }
.Lfunc_end2:
_tile_overlayer_lowered:
.L_overlay_start_2:
0x3d: {  	(tag) =	ssettag $0x2  }
0x3e: {  	s0 =	rddreg [dreg:$0x0];
	s2 =	stileid.u32  }
0x3f: {  	s1 =	rddreg [dreg:$0x1];
	p0 =	sne.s32 s2, $0x0  }
0x40: {  	s3 =	rddreg [dreg:$0x2];
	[bflag:$0x3] =	sbarrier.arrive $0xFFFF;
	s2 =	simm.s32 @!p0 $0x1C02  }
0x41: {  	[timem:s3], [sflag:s2] =	dma.local @!p0 [hbm:s0], s1  }
0x42: {  	s0 =	simm.s32 @!p0 $0x2  }
0x43: {  	_ =	swait.ge @!p0 [sflag:s0], s1  }
0x44: {  	s1 =	ssub.s32 @!p0 $0x0, s1;
	[sflag:s0] =	ssyncset.done @!p0 $0x0  }
0x45: {  	[sflag:s0] =	ssyncadd.s32 @!p0 s1  }
0x46: {  	[bflag:$0x3] =	sbarrier.arrive $0xFFFF  }
0x47: {  	_ =	shalt  }

// kernel: kernel.7.cloned.1.call-start
scs
__scs_entry_jumppad:
0x0: {  	(pc) =	sbr.rel $0x88, $3  }
0x1: {  	(tag) =	ssettag $0x0;
	lr =	simm.s32 $0x1  }
0x2: {  	[smem:$0x3F94] =	sst lr;
	_ =	strace $0xD0000000  }
0x3: {  	_ = 	snop  }
0x4: {  	_ = 	snop  }
0x5: {  	_ = 	snop  }
0x6: {  	_ = 	snop  }
0x7: {  	_ = 	snop  }
__scs_overlays_trampoline_lowered:
0x8: {  	[smem:$0x3FA3] =	sst s0  }
0x9: {  	[smem:$0x3FA4] =	sst s1  }
0xa: {  	[smem:$0x3FA5] =	sst s2  }
0xb: {  	[smem:$0x3FA6] =	sst s3  }
0xc: {  	[smem:$0x3FA7] =	sst s4  }
0xd: {  	[smem:$0x3FA8] =	sst s5  }
0xe: {  	[smem:$0x3FA9] =	sst s6  }
0xf: {  	[smem:$0x3FAA] =	sst s7  }
0x10: {  	[smem:$0x3FAB] =	sst s8  }
0x11: {  	[smem:$0x3FAC] =	sst s9;
	s0 =	simm.s32 @!p0 $0x0  }
0x12: {  	s1 =	sld [smem:$0x3F92];
	s0 =	simm.s32 @p0 $0x1  }
0x13: {  	[smem:$0x3FAD] =	sst s0;
	s0 =	simm.s32 @!p1 $0x0  }
0x14: {  	s2 =	sld [smem:$0x3F91];
	s0 =	simm.s32 @p1 $0x1  }
0x15: {  	[smem:$0x3FAE] =	sst s0;
	s0 =	simm.s32 @!p2 $0x0  }
0x16: {  	s3 =	sld [smem:$0x3FDB];
	s0 =	simm.s32 @p2 $0x1  }
0x17: {  	s4 =	simm.s32 $0x1BF5;
	[smem:$0x3FB0] =	sst s0  }
0x18: {  	s0 =	sld [smem:$0x3F93];
	_ =	swait.ge [sflag:s4], $0x0  }
0x19: {  	s7 =	sld [smem:$0x3F94]  }
0x1a: {  	s8 =	sadd.s32 $0xFFFFE003, lr  }
0x1b: {  	s9 =	sadd.s32 $0xFFFFFEF7, lr;
	s5 =	simm.s32 $0xFFFFFFFF;
	p2 =	slt.u32 s8, $0xFFFFF086  }
0x1c: {  	p1 =	slt.u32 s9, $0xF7A;
	s5 =	simm.s32 @!p2 $0x0  }
0x1d: {  	s5 =	simm.s32 @p1 $0x1;
	p0 =	seq.s32 s7, s2  }
0x1e: {  	s7 =	smul.u32 @!p0 $0xF7A, s2;
	p2 =	seq.s32 @!p0 s5, $0x0  }
0x1f: {  	s9 =	smul.u32 $0xF7A, s1;
	s8 =	simm.s32 @!p0 $0x1BF5;
	p2 =	por !p2, p0  }
0x20: {  	[sflag:s8] =	ssyncset.s32 @!p0 $0xFFFFF086;
	s6 =	sadd.s32 @!p0 s3, s7;
	s7 =	simm.s32 @!p0 $0x108  }
0x21: {  	s3 =	sadd.s32 s3, s9;
	s6 =	sadd.s32 @!p0 $0x88, s6;
	s7 =	simm.s32 @p2 $0x1082  }
0x22: {  	[simem:s7], [sflag:s8] =	dma.local @!p0 [hbm:s6], $0xF7A  }
0x23: {  	s9 =	sor.u32 $0xD0000000, s2;
	s6 =	simm.s32 $0x108;
	_ =	swait.ge @!p0 [sflag:s8], $0x0  }
0x24: {  	s3 =	sadd.s32 $0x88, s3;
	s6 =	simm.s32 @!p1 $0x1082;
	[sflag:s4] =	ssyncset.s32 $0xFFFFF086  }
0x25: {  	[simem:s6], [sflag:s4] =	dma.local [hbm:s3], $0xF7A  }
0x26: {  	[smem:$0x3F94] =	sst s1;
	(tag) =	ssettag s2;
	_ =	strace s9  }
0x27: {  	s1 =	sld [smem:$0x3FA4]  }
0x28: {  	s2 =	sld [smem:$0x3FA5]  }
0x29: {  	s4 =	sld [smem:$0x3FA7]  }
0x2a: {  	p0 =	seq.s32 s5, $0x0;
	s5 =	sld [smem:$0x3FA8]  }
0x2b: {  	s6 =	sld [smem:$0x3FA9]  }
0x2c: {  	s7 =	sld [smem:$0x3FAA]  }
0x2d: {  	s3 =	simm.s32 $0x108;
	s8 =	sld [smem:$0x3FAB]  }
0x2e: {  	s3 =	simm.s32 @!p0 $0x1082;
	s9 =	sld [smem:$0x3FAC]  }
0x2f: {  	lr =	sadd.s32 s0, s3;
	s0 =	sld [smem:$0x3FA3]  }
0x30: {  	s3 =	sld [smem:$0x3FA6]  }
0x31: {  	[smem:$0x3FAF] =	sst s10  }
0x32: {  	s10 =	sld [smem:$0x3FAD];
	_ =	sdelay $0x3  }
0x33: {  	p0 =	seq.s32 s10, $0x1;
	s10 =	sld [smem:$0x3FAF];
	_ =	sdelay $0x3  }
0x34: {  	[smem:$0x3FAF] =	sst s10  }
0x35: {  	s10 =	sld [smem:$0x3FAE];
	_ =	sdelay $0x3  }
0x36: {  	p1 =	seq.s32 s10, $0x1;
	s10 =	sld [smem:$0x3FAF];
	_ =	sdelay $0x3  }
0x37: {  	[smem:$0x3FAF] =	sst s10  }
0x38: {  	s10 =	sld [smem:$0x3FB0]  }
0x39: {  	_ = 	snop;
	(pc) =	sbr.ind lr, $3  }
0x3a: {  	_ = 	snop  }
0x3b: {  	_ = 	snop  }
0x3c: {  	p2 =	seq.s32 s10, $0x1;
	s10 =	sld [smem:$0x3FAF]  }
0x3d: {  	_ =	shalt  }
0x3e: {  	_ =	shalt  }
0x3f: {  	_ =	shalt  }
0x40: {  	_ =	shalt  }
0x41: {  	_ =	shalt  }
0x42: {  	_ =	shalt  }
0x43: {  	_ =	shalt  }
0x44: {  	_ =	shalt  }
0x45: {  	_ =	shalt  }
0x46: {  	_ =	shalt  }
0x47: {  	_ =	shalt  }
0x48: {  	_ =	shalt  }
0x49: {  	_ =	shalt  }
0x4a: {  	_ =	shalt  }
0x4b: {  	_ =	shalt  }
0x4c: {  	_ =	shalt  }
0x4d: {  	_ =	shalt  }
0x4e: {  	_ =	shalt  }
0x4f: {  	_ =	shalt  }
0x50: {  	_ =	shalt  }
0x51: {  	_ =	shalt  }
0x52: {  	_ =	shalt  }
0x53: {  	_ =	shalt  }
0x54: {  	_ =	shalt  }
0x55: {  	_ =	shalt  }
0x56: {  	_ =	shalt  }
0x57: {  	_ =	shalt  }
0x58: {  	_ =	shalt  }
0x59: {  	_ =	shalt  }
0x5a: {  	_ =	shalt  }
0x5b: {  	_ =	shalt  }
0x5c: {  	_ =	shalt  }
0x5d: {  	_ =	shalt  }
0x5e: {  	_ =	shalt  }
0x5f: {  	_ =	shalt  }
0x60: {  	_ =	shalt  }
0x61: {  	_ =	shalt  }
0x62: {  	_ =	shalt  }
0x63: {  	_ =	shalt  }
0x64: {  	_ =	shalt  }
0x65: {  	_ =	shalt  }
0x66: {  	_ =	shalt  }
0x67: {  	_ =	shalt  }
0x68: {  	_ =	shalt  }
0x69: {  	_ =	shalt  }
0x6a: {  	_ =	shalt  }
0x6b: {  	_ =	shalt  }
0x6c: {  	_ =	shalt  }
0x6d: {  	_ =	shalt  }
0x6e: {  	_ =	shalt  }
0x6f: {  	_ =	shalt  }
0x70: {  	_ =	shalt  }
0x71: {  	_ =	shalt  }
0x72: {  	_ =	shalt  }
0x73: {  	_ =	shalt  }
0x74: {  	_ =	shalt  }
0x75: {  	_ =	shalt  }
0x76: {  	_ =	shalt  }
0x77: {  	_ =	shalt  }
0x78: {  	_ =	shalt  }
0x79: {  	_ =	shalt  }
0x7a: {  	_ =	shalt  }
0x7b: {  	_ =	shalt  }
0x7c: {  	_ =	shalt  }
0x7d: {  	_ =	shalt  }
0x7e: {  	_ =	shalt  }
0x7f: {  	_ =	shalt  }
0x80: {  	_ =	shalt  }
0x81: {  	_ =	shalt  }
0x82: {  	_ =	shalt  }
0x83: {  	_ =	shalt  }
0x84: {  	_ =	shalt  }
0x85: {  	_ =	shalt  }
0x86: {  	_ =	shalt  }
0x87: {  	_ =	shalt  }
.Lfunc_end0:
.L_simem_size_0:
called_computation_lowered:
.L_overlay_start_0:
0x88: {  	s2 =	sld [smem:$0x3FD9]  }
0x89: {  	s3 =	sld [smem:$0x3FFE];
	_ =	sdelay $0x1  }
0x8a: {  	s1 =	srdreg.scid  }
0x8b: {  	s0 =	sand.u32 $0x1, s1  }
0x8c: {  	s17 =	sshll.u32 s0, $0xA;
	s2 =	sadd.s32 s3, s2  }
0x8d: {  	s2 =	sadd.s32 s2, s17  }
0x8e: {  	[smem:$0x3FBB] =	sst s2  }
0x8f: {  	_ = 	snop  }
0x90: {  	s2 =	sld [smem:$0x3FC7];
	(tm) =	ssettm $0x1  }
0x91: {  	s18 =	sld [smem:$0x3FFB];
	_ =	sdelay $0x3  }
0x92: {  	_ =	strace s18  }
0x93: {  	s3 =	sld [smem:$0x3FFC];
	_ =	sdelay $0x3  }
0x94: {  	_ =	strace s3  }
0x95: {  	s3 =	sld [smem:$0x3FFD];
	_ =	sdelay $0x3  }
0x96: {  	_ =	strace s3  }
0x97: {  	_ =	strace $0x8FFFFFFF  }
0x98: {  	s19 =	sld [smem:$0x3FDB];
	_ =	sdelay $0x1  }
0x99: {  	s4 =	simm.s32 $_scs_section_size  }
0x9a: {  	s5 =	simm.s32 $_size__tile_overlayer_lowered;
	s6 =	simm.s32 $_tile_overlayer_lowered  }
0x9b: {  	s22 =	simm.s32 $0x1BFF;
	s21 =	sshll.u32 s6, $0x1;
	s3 =	sadd.s32 s4, s19  }
0x9c: {  	s7 =	simm.s32 $0x0;
	s20 =	sshll.u32 s5, $0x1;
	s5 =	sadd.s32 s21, s3  }
0x9d: {  	[timem:s7], [sflag:s22] =	dma.local [hbm:s5], s20  }
0x9e: {  	_ =	swait.ge [sflag:s22], s20  }
0x9f: {  	s4 =	ssub.s32 $0x0, s20;
	[sflag:s22] =	ssyncset.done $0x0  }
0xa0: {  	[sflag:s22] =	ssyncadd.s32 s4;
	_ =	sdelay $0x1  }
0xa1: {  	s23 =	simm.s32 $0x1B8B  }
0xa2: {  	_ =	swait.ge [sflag:s23], $0x1  }
0xa3: {  	[sflag:s23] =	ssyncset.done $0x0  }
0xa4: {  	s25 =	simm.s32 $0x1B8E;
	s24 =	sld [smem:$0x3FFE];
	[sflag:s23] =	ssyncadd.s32 $0xFFFFFFFF  }
0xa5: {  	s26 =	simm.s32 $execute0_lowered;
	[smem:$0x3FD2] =	sst s25  }
0xa6: {  	s5 =	sshll.u32 s26, $0x1;
	_ =	strace $0x80000046;
	[dreg:$0x1] =	wrdreg $0xFFFFFFFF  }
0xa7: {  	s28 =	simm.s32 $_size_execute0_lowered;
	s3 =	sadd.s32 s3, s5;
	[dreg:$0x0] =	wrdreg $0x0  }
0xa8: {  	s5 =	sshll.u32 s28, $0x1;
	[dreg:$0x2] =	wrdreg s3  }
0xa9: {  	[dreg:$0x3] =	wrdreg s5  }
0xaa: {  	[dreg:$0x4] =	wrdreg $0xC0  }
0xab: {  	_ =	task [dreg:s7], $0x5FFFF  }
0xac: {  	[dreg:$0x1] =	wrdreg $0xFFFFFFFF  }
0xad: {  	[dreg:$0x0] =	wrdreg $0x60  }
0xae: {  	[dreg:$0x2] =	wrdreg s2  }
0xaf: {  	[dreg:$0x3] =	wrdreg s24  }
0xb0: {  	[dreg:$0x4] =	wrdreg $0x9  }
0xb1: {  	_ =	task.clear_ibuf [dreg:s7], $0x5FFFF;
	_ =	strace $0x90000046  }
0xb2: {  	s29 =	simm.s32 $0x9;
	_ =	strace $0x80000048  }
0xb3: {  	_ =	swait.ge [sflag:s29], $0x1  }
0xb4: {  	[sflag:s29] =	ssyncadd.s32 $0xFFFFFFFF  }
0xb5: {  	_ =	strace $0x90000048  }
0xb6: {  	_ =	sfence  }
0xb7: {  	s30 =	sld [smem:$0x0];
	_ =	sdelay $0x2  }
0xb8: {  	s31 =	sshll.u32 s1, $0xD;
	s1 =	sshrl.u32 s1, $0x2  }
0xb9: {  	s3 =	sand.u32 $0x4000, s31;
	s1 =	sadd.s32 s1, s30  }
0xba: {  	s0 =	sor.u32 s3, s0;
	s1 =	sshll.u32 s1, $0x11  }
0xbb: {  	s0 =	sor.u32 s1, s0  }
0xbc: {  	s0 =	sadd.s32 $0x8F2B, s0  }
0xbd: {  	[sflag:s0] =	ssyncadd.remote.s32 $0x1  }
0xbe: {  	_ =	sfence.sel $0xFFFF  }
0xbf: {  	[dreg:$0x0] =	wrdreg $0xFFFFFFFF;
	(pc) =	sbr.abs _section_cstart, $3  }
0xc0: {  	[dreg:$0x1] =	wrdreg $0xFFFFFFFF  }
0xc1: {  	_ =	task.clear_ibuf [dreg:s7], $0x2FFFF;
	_ =	strace $0x9FFFFFFF  }
0xc2: {  	(tm) =	ssettm $0x7FFFFFFF  }
0xc3: {  	_ =	shalt  }
tec
execute0_lowered:
.L_overlay_start_1:
0x0: {  	(tag) =	ssettag $0x1  }
0x1: {  	s1 =	srdreg.scid;
	s0 =	stileid.u32  }
0x2: {  	s11 =	sand.u32 $0x1, s1;
	s26 =	sshll.u32 s0, $0x1  }
0x3: {  	s2 =	rddreg [dreg:$0x0];
	s9 =	sor.u32 s11, s26  }
0x4: {  	s10 =	rddreg [dreg:$0x1];
	s12 =	smul.u32 $0x320, s9  }
0x5: {  	s3 =	simm.s32 $0x0;
	s1 =	rddreg [dreg:$0x2]  }
0x6: {  	[smem:$0x7FF] =	sst s3;
	s13 =	sadd.s32 $0x2600, s10;
	s4 =	sshrl.u32 s12, $0x3  }
0x7: {  	_ =	strace $0x80000047;
	s5 =	sadd.s32 s13, s4;
	s4 =	simm.s32 $0x2  }
0x8: {  	[tilespmem:s3], [sflag:$0x2] =	stream.linear.gather [hbm4b:s5+s3], $0x190, $0x38;
	[tilespmem:$0xCA00] =	vst v63  }
0x9: {  	_ =	swait.ge [sflag:s4], $0x190  }
0xa: {  	s6 =	simm.s32 $0x190;
	[sflag:s4] =	ssyncset.done $0x0  }
0xb: {  	s7 =	simm.s32 $0x200;
	s8 =	simm.s32 $0x1;
	[sflag:s4] =	ssyncadd.s32 $0xFFFFFE70  }
0xc: {  	[tilespmem:s7], [sflag:$0x1] =	stream.indirect.gather [hbm4b:s2+s6], $0x80, s3, s6, $0xb8;
	[tilespmem:$0xCA00] =	vst v63  }
0xd: {  	s9 =	smul.u32 $0x3200, s9;
	_ =	swait.ge [sflag:s8], $0xC800  }
0xe: {  	s14 =	sadd.s32 $0x3400, s10;
	[sflag:s8] =	ssyncset.done $0x0  }
0xf: {  	s9 =	sadd.s32 s14, s9;
	[sflag:s8] =	ssyncadd.s32 $0xFFFF3800  }
0x10: {  	[hbm4b:s9+s3] =	stream.linear.scatter [tilespmem:s7], [sflag:$0x2], $0xC800, $0x38;
	[tilespmem:$0xCA00] =	vst v63  }
0x11: {  	s12 =	sadd.s32 $0x190, s12;
	_ =	swait.ge [sflag:s4], $0xC800  }
0x12: {  	s28 =	sshrl.u32 s12, $0x3;
	[sflag:s4] =	ssyncset.done $0x0  }
0x13: {  	s11 =	ssub.s32 $0x2, s11;
	s10 =	sadd.s32 s13, s28;
	[sflag:s4] =	ssyncadd.s32 $0xFFFF3800  }
0x14: {  	[tilespmem:s3], [sflag:$0x2] =	stream.linear.gather [hbm4b:s10+s3], $0x190, $0x38;
	[tilespmem:$0xCA00] =	vst v63  }
0x15: {  	s29 =	sshrl.u32 s11, $0x1;
	_ =	swait.ge [sflag:s4], $0x190  }
0x16: {  	s13 =	ssub.s32 s11, s29;
	[sflag:s4] =	ssyncset.done $0x0  }
0x17: {  	s31 =	smax.u32 s13, $0x1;
	[sflag:s4] =	ssyncadd.s32 $0xFFFFFE70  }
0x18: {  	[tilespmem:s7], [sflag:$0x1] =	stream.indirect.gather [hbm4b:s2+s6], $0x80, s3, s6, $0xb8;
	[tilespmem:$0xCA00] =	vst v63  }
0x19: {  	p0 =	sne.s32 s31, $0x1;
	_ =	swait.ge [sflag:s8], $0xC800  }
.Ltmp0:
0x1a: {  	s30 =	sshll.u32 s12, $0x4;
	[sflag:s8] =	ssyncset.done $0x0;
	(pc) =	sbr.rel @!p0 .LBB2_2-.Ltmp0, $4  }
0x1b: {  	s11 =	sadd.s32 s14, s30;
	[sflag:s8] =	ssyncadd.s32 $0xFFFF3800  }
0x1c: {  	[hbm4b:s11+s3] =	stream.linear.scatter [tilespmem:s7], [sflag:$0x2], $0xC800, $0x38;
	[tilespmem:$0xCA00] =	vst v63  }
0x1d: {  	_ =	swait.ge [sflag:s4], $0xC800  }
0x1e: {  	s12 =	sadd.s32 $0xFFFFFFFF, s31;
	[sflag:s4] =	ssyncset.done $0x0  }
.LBB2_1:
0x1f: {  	p0 =	sne.s32 s12, $0x1;
	s12 =	sadd.s32 $0xFFFFFFFF, s12;
	[sflag:s4] =	ssyncadd.s32 $0xFFFF3800  }
0x20: {  	[tilespmem:s3], [sflag:$0x2] =	stream.linear.gather [hbm4b:s5+s3], $0x190, $0x38;
	[tilespmem:$0xCA00] =	vst v63  }
0x21: {  	_ =	swait.ge [sflag:s4], $0x190  }
0x22: {  	[sflag:s4] =	ssyncset.done $0x0  }
0x23: {  	[sflag:s4] =	ssyncadd.s32 $0xFFFFFE70  }
0x24: {  	[tilespmem:s7], [sflag:$0x1] =	stream.indirect.gather [hbm4b:s2+s6], $0x80, s3, s6, $0xb8;
	[tilespmem:$0xCA00] =	vst v63  }
0x25: {  	_ =	swait.ge [sflag:s8], $0xC800  }
0x26: {  	[sflag:s8] =	ssyncset.done $0x0  }
0x27: {  	[sflag:s8] =	ssyncadd.s32 $0xFFFF3800  }
0x28: {  	[hbm4b:s9+s3] =	stream.linear.scatter [tilespmem:s7], [sflag:$0x2], $0xC800, $0x38;
	[tilespmem:$0xCA00] =	vst v63  }
0x29: {  	_ =	swait.ge [sflag:s4], $0xC800  }
0x2a: {  	[sflag:s4] =	ssyncset.done $0x0  }
0x2b: {  	[sflag:s4] =	ssyncadd.s32 $0xFFFF3800  }
0x2c: {  	[tilespmem:s3], [sflag:$0x2] =	stream.linear.gather [hbm4b:s10+s3], $0x190, $0x38;
	[tilespmem:$0xCA00] =	vst v63  }
0x2d: {  	_ =	swait.ge [sflag:s4], $0x190  }
0x2e: {  	[sflag:s4] =	ssyncset.done $0x0  }
0x2f: {  	[sflag:s4] =	ssyncadd.s32 $0xFFFFFE70  }
0x30: {  	[tilespmem:s7], [sflag:$0x1] =	stream.indirect.gather [hbm4b:s2+s6], $0x80, s3, s6, $0xb8;
	[tilespmem:$0xCA00] =	vst v63  }
0x31: {  	_ =	swait.ge [sflag:s8], $0xC800  }
.Ltmp1:
0x32: {  	[sflag:s8] =	ssyncset.done $0x0;
	(pc) =	sbr.rel @p0 .LBB2_1-.Ltmp1, $4  }
0x33: {  	[sflag:s8] =	ssyncadd.s32 $0xFFFF3800  }
0x34: {  	[hbm4b:s11+s3] =	stream.linear.scatter [tilespmem:s7], [sflag:$0x2], $0xC800, $0x38;
	[tilespmem:$0xCA00] =	vst v63  }
0x35: {  	_ =	swait.ge [sflag:s4], $0xC800  }
0x36: {  	[sflag:s4] =	ssyncset.done $0x0  }
.LBB2_2:
0x37: {  	[sflag:s4] =	ssyncadd.s32 $0xFFFF3800  }
0x38: {  	_ =	sfence.sel $0x180000  }
0x39: {  	[bflag:$0x0] =	sbarrier.arrive $0xFFFF  }
0x3a: {  	p0 =	sne.s32 s0, $0x0;
	_ =	strace $0x90000047  }
0x3b: {  	s0 =	sadd.s32 @!p0 $0x100000, s1;
	[bflag:$0x2] =	sbarrier.arrive $0xFFFF  }
0x3c: {  	[sflag:s0] =	ssyncadd.tile.s32 @!p0 $0x1;
	_ =	shalt  }
.Lfunc_end2:
_tile_overlayer_lowered:
.L_overlay_start_2:
0x3d: {  	(tag) =	ssettag $0x2  }
0x3e: {  	s0 =	rddreg [dreg:$0x0];
	s2 =	stileid.u32  }
0x3f: {  	s1 =	rddreg [dreg:$0x1];
	p0 =	sne.s32 s2, $0x0  }
0x40: {  	s3 =	rddreg [dreg:$0x2];
	[bflag:$0x3] =	sbarrier.arrive $0xFFFF;
	s2 =	simm.s32 @!p0 $0x1C02  }
0x41: {  	[timem:s3], [sflag:s2] =	dma.local @!p0 [hbm:s0], s1  }
0x42: {  	s0 =	simm.s32 @!p0 $0x2  }
0x43: {  	_ =	swait.ge @!p0 [sflag:s0], s1  }
0x44: {  	s1 =	ssub.s32 @!p0 $0x0, s1;
	[sflag:s0] =	ssyncset.done @!p0 $0x0  }
0x45: {  	[sflag:s0] =	ssyncadd.s32 @!p0 s1  }
0x46: {  	[bflag:$0x3] =	sbarrier.arrive $0xFFFF  }
0x47: {  	_ =	shalt  }

</sc_bundles>
